<compile_context>
chip_gen: v7x
topology: tpu7x:2x2x1
jax: 0.10.2.dev20260603
libtpu: 0.0.44.dev20260713+nightly
codegen_flags: <defaults>
</compile_context>

<pallas_src>
import functools

import jax
import jax.numpy as jnp
from jax import lax
from jax.experimental import pallas as pl
from jax.experimental.pallas import tpu as pltpu
from jax.experimental.pallas import tpu_sc as plsc

RATIO = 0.75

T, B, C = 576, 64, 768
REMAIN_T = int(T * (1 - RATIO))
N_ROWS = REMAIN_T * B

_info = plsc.get_sparse_core_info()
NC, NS = _info.num_cores, _info.num_subcores
NW = NC * NS
ROWS_PER_W = N_ROWS // NW
CHUNK = 48
N_CHUNKS = ROWS_PER_W // CHUNK


@functools.partial(
    pl.kernel,
    mesh=plsc.VectorSubcoreMesh(core_axis_name="c", subcore_axis_name="s"),
    out_type=jax.ShapeDtypeStruct((N_ROWS, C), jnp.float32),
    scratch_types=[
        pltpu.VMEM((ROWS_PER_W,), jnp.int32),
        pltpu.VMEM((CHUNK, C), jnp.float32),
        pltpu.VMEM((CHUNK, C), jnp.float32),
        pltpu.SemaphoreType.DMA,
        pltpu.SemaphoreType.DMA,
    ],
)
def _gather_rows(table_hbm, idx_hbm, out_hbm, idx_v, buf0, buf1, sem0, sem1):
    wid = lax.axis_index("s") * NC + lax.axis_index("c")
    base = wid * ROWS_PER_W
    pltpu.sync_copy(idx_hbm.at[pl.ds(base, ROWS_PER_W)], idx_v)
    bufs = (buf0, buf1)
    sems = (sem0, sem1)
    copies = []
    for g in range(N_CHUNKS):
        copies.append(pltpu.async_copy(
            table_hbm.at[idx_v.at[pl.ds(g * CHUNK, CHUNK)]],
            bufs[g % 2], sems[g % 2]))
        if g >= 1:
            copies[g - 1].wait()
            pltpu.sync_copy(bufs[(g - 1) % 2],
                            out_hbm.at[pl.ds(base + (g - 1) * CHUNK, CHUNK)])
    copies[N_CHUNKS - 1].wait()
    pltpu.sync_copy(bufs[(N_CHUNKS - 1) % 2],
                    out_hbm.at[pl.ds(base + (N_CHUNKS - 1) * CHUNK, CHUNK)])


def kernel(patches):
    perm_key = jax.random.key(42)
    keys = jax.random.split(perm_key, B)
    forward_indexes = jax.vmap(lambda k: jax.random.permutation(k, T))(keys).T
    backward_indexes = jnp.argsort(forward_indexes, axis=0)

    flat_idx = (forward_indexes[:REMAIN_T] * B
                + jnp.arange(B, dtype=jnp.int32)[None, :]).reshape(-1)
    table = patches.reshape(T * B, C)
    out = _gather_rows(table, flat_idx).reshape(REMAIN_T, B, C)
    return (out, forward_indexes, backward_indexes)

# --- scband reference (transcript-rebuilt; emitter-appended) ---
"""Pipeline reference for scband-patch-shuffle-22041772163604 (READ-ONLY COPY).

The authoritative reference and input builder live on the scoring server;
editing this copy changes nothing except your own understanding.
"""

import jax, jax.numpy as jnp
import numpy as np

RATIO = 0.75


def setup_inputs(seed: int = 0) -> dict:
    key = jax.random.key(seed)
    patches = jax.random.normal(key, (576, 64, 768), dtype=jnp.float32)
    return {"patches": patches}


def reference(patches):
    # PatchShuffle.forward with mask_type='random'
    T, B, C = patches.shape
    remain_T = int(T * (1 - RATIO))
    # per-batch random permutation of [0, T) (deterministic key stands in for np.random.shuffle)
    perm_key = jax.random.key(42)
    keys = jax.random.split(perm_key, B)
    forward_indexes = jax.vmap(lambda k: jax.random.permutation(k, T))(keys).T  # [T, B]
    backward_indexes = jnp.argsort(forward_indexes, axis=0)  # [T, B]
    # take_indexes: gather along dim 0 with indexes broadcast over channel dim
    idx = jnp.broadcast_to(forward_indexes[:, :, None], (T, B, C))
    shuffled = jnp.take_along_axis(patches, idx, axis=0)
    out = shuffled[:remain_T]
    return (out, forward_indexes, backward_indexes)

if __name__ == "__main__":
    import jax
    _d = setup_inputs()
    print(jax.jit(kernel)(*tuple(_d.values())))

</pallas_src>

<mosaic_0001>
#map = affine_map<(d0, d1) -> (0, 0)>
#map1 = affine_map<(d0, d1) -> (0)>
module attributes {stable_mosaic.version = 14 : i64} {
  func.func @_gather_rows(%arg0: i32, %arg1: i32, %arg2: memref<36864x768xf32, #tpu.memory_space<hbm>>, %arg3: memref<9216xi32, #tpu.memory_space<hbm>>, %arg4: memref<9216x768xf32, #tpu.memory_space<hbm>>, %arg5: memref<288xi32, #tpu.memory_space<vmem>>, %arg6: memref<48x768xf32, #tpu.memory_space<vmem>>, %arg7: memref<48x768xf32, #tpu.memory_space<vmem>>, %arg8: memref<!tpu.dma_semaphore, #tpu.memory_space<semaphore_mem>>, %arg9: memref<!tpu.dma_semaphore, #tpu.memory_space<semaphore_mem>>) attributes {dimension_semantics = [#tpu.dimension_semantics<core_parallel>, #tpu.dimension_semantics<subcore_parallel>], iteration_bounds = array<i64: 2, 16>, scalar_prefetch = 0 : i64, scratch_operands = 5 : i64, tpu.core_type = #tpu.core_type<sc_vector_subcore>, window_params = [{transform_indices = #map}, {transform_indices = #map1}, {transform_indices = #map}]} {
    %mul3A = arith.constant 2 : i32
    %mul3A_0 = arith.muli %arg1, %mul3A : i32
    %add3A = arith.addi %mul3A_0, %arg0 : i32
    %mul3A_1 = arith.constant 288 : i32
    %mul3A_2 = arith.muli %add3A, %mul3A_1 : i32
    "tpu.region"() ({
      %run_scoped3A = tpu.sem_alloc : memref<!tpu.dma_semaphore, #tpu.memory_space<semaphore_mem>>
      %dma_start3A_73 = tpu.memref_slice %arg3[%mul3A_2] : memref<9216xi32, #tpu.memory_space<hbm>> -> memref<288xi32, #tpu.memory_space<hbm>>
      %dma_start3A_74 = tpu.memref_slice %arg3[%mul3A_2] : memref<9216xi32, #tpu.memory_space<hbm>> -> memref<288xi32, #tpu.memory_space<hbm>>
      tpu.enqueue_dma source(%dma_start3A_74 : memref<288xi32, #tpu.memory_space<hbm>>) target(%arg5 : memref<288xi32, #tpu.memory_space<vmem>>) target_semaphore(%run_scoped3A : memref<!tpu.dma_semaphore, #tpu.memory_space<semaphore_mem>>)
      %dma_wait3A_75 = tpu.memref_slice %arg3[%mul3A_2] : memref<9216xi32, #tpu.memory_space<hbm>> -> memref<288xi32, #tpu.memory_space<hbm>>
      %dma_wait3A_76 = tpu.memref_slice %arg3[%mul3A_2] : memref<9216xi32, #tpu.memory_space<hbm>> -> memref<288xi32, #tpu.memory_space<hbm>>
      tpu.wait_dma2 semaphore(%run_scoped3A : memref<!tpu.dma_semaphore, #tpu.memory_space<semaphore_mem>>) src(%dma_wait3A_76 : memref<288xi32, #tpu.memory_space<hbm>>) dst(%arg5 : memref<288xi32, #tpu.memory_space<vmem>>)
      tpu.yield
    }) : () -> ()
    %dma_start3A = arith.constant 0 : i32
    %dma_start3A_3 = tpu.memref_slice %arg5[%dma_start3A] : memref<288xi32, #tpu.memory_space<vmem>> -> memref<48xi32, #tpu.memory_space<vmem>>
    %dma_start3A_4 = arith.constant 0 : i32
    %dma_start3A_5 = arith.constant 0 : i32
    %dma_start3A_6 = tpu.memref_slice %arg2[%dma_start3A_4, %dma_start3A_5] : memref<36864x768xf32, #tpu.memory_space<hbm>> -> memref<36864x768xf32, #tpu.memory_space<hbm>>
    tpu.enqueue_indirect_dma source(%dma_start3A_6 : memref<36864x768xf32, #tpu.memory_space<hbm>>) target(%arg6 : memref<48x768xf32, #tpu.memory_space<vmem>>) offsets(%dma_start3A_3 : memref<48xi32, #tpu.memory_space<vmem>>) semaphore(%arg8 : memref<!tpu.dma_semaphore, #tpu.memory_space<semaphore_mem>>)
    %dma_start3A_7 = arith.constant 48 : i32
    %dma_start3A_8 = tpu.memref_slice %arg5[%dma_start3A_7] : memref<288xi32, #tpu.memory_space<vmem>> -> memref<48xi32, #tpu.memory_space<vmem>>
    %dma_start3A_9 = arith.constant 0 : i32
    %dma_start3A_10 = arith.constant 0 : i32
    %dma_start3A_11 = tpu.memref_slice %arg2[%dma_start3A_9, %dma_start3A_10] : memref<36864x768xf32, #tpu.memory_space<hbm>> -> memref<36864x768xf32, #tpu.memory_space<hbm>>
    tpu.enqueue_indirect_dma source(%dma_start3A_11 : memref<36864x768xf32, #tpu.memory_space<hbm>>) target(%arg7 : memref<48x768xf32, #tpu.memory_space<vmem>>) offsets(%dma_start3A_8 : memref<48xi32, #tpu.memory_space<vmem>>) semaphore(%arg9 : memref<!tpu.dma_semaphore, #tpu.memory_space<semaphore_mem>>)
    %dma_wait3A = arith.constant 0 : i32
    %dma_wait3A_12 = tpu.memref_slice %arg5[%dma_wait3A] : memref<288xi32, #tpu.memory_space<vmem>> -> memref<48xi32, #tpu.memory_space<vmem>>
    %dma_wait3A_13 = arith.constant 0 : i32
    %dma_wait3A_14 = arith.constant 0 : i32
    %dma_wait3A_15 = tpu.memref_slice %arg2[%dma_wait3A_13, %dma_wait3A_14] : memref<36864x768xf32, #tpu.memory_space<hbm>> -> memref<36864x768xf32, #tpu.memory_space<hbm>>
    tpu.wait_indirect_dma semaphore(%arg8 : memref<!tpu.dma_semaphore, #tpu.memory_space<semaphore_mem>>) src(%dma_wait3A_15 : memref<36864x768xf32, #tpu.memory_space<hbm>>) dst(%arg6 : memref<48x768xf32, #tpu.memory_space<vmem>>)
    %add3A_16 = arith.constant 0 : i32
    %add3A_17 = arith.addi %mul3A_2, %add3A_16 : i32
    "tpu.region"() ({
      %run_scoped3A = tpu.sem_alloc : memref<!tpu.dma_semaphore, #tpu.memory_space<semaphore_mem>>
      %dma_start3A_73 = arith.constant 0 : i32
      %dma_start3A_74 = tpu.memref_slice %arg4[%add3A_17, %dma_start3A_73] : memref<9216x768xf32, #tpu.memory_space<hbm>> -> memref<48x768xf32, #tpu.memory_space<hbm>>
      %dma_start3A_75 = arith.constant 0 : i32
      %dma_start3A_76 = tpu.memref_slice %arg4[%add3A_17, %dma_start3A_75] : memref<9216x768xf32, #tpu.memory_space<hbm>> -> memref<48x768xf32, #tpu.memory_space<hbm>>
      tpu.enqueue_dma source(%arg6 : memref<48x768xf32, #tpu.memory_space<vmem>>) target(%dma_start3A_76 : memref<48x768xf32, #tpu.memory_space<hbm>>) target_semaphore(%run_scoped3A : memref<!tpu.dma_semaphore, #tpu.memory_space<semaphore_mem>>)
      %dma_wait3A_77 = arith.constant 0 : i32
      %dma_wait3A_78 = tpu.memref_slice %arg4[%add3A_17, %dma_wait3A_77] : memref<9216x768xf32, #tpu.memory_space<hbm>> -> memref<48x768xf32, #tpu.memory_space<hbm>>
      %dma_wait3A_79 = arith.constant 0 : i32
      %dma_wait3A_80 = tpu.memref_slice %arg4[%add3A_17, %dma_wait3A_79] : memref<9216x768xf32, #tpu.memory_space<hbm>> -> memref<48x768xf32, #tpu.memory_space<hbm>>
      tpu.wait_dma2 semaphore(%run_scoped3A : memref<!tpu.dma_semaphore, #tpu.memory_space<semaphore_mem>>) src(%arg6 : memref<48x768xf32, #tpu.memory_space<vmem>>) dst(%dma_wait3A_80 : memref<48x768xf32, #tpu.memory_space<hbm>>)
      tpu.yield
    }) : () -> ()
    %dma_start3A_18 = arith.constant 96 : i32
    %dma_start3A_19 = tpu.memref_slice %arg5[%dma_start3A_18] : memref<288xi32, #tpu.memory_space<vmem>> -> memref<48xi32, #tpu.memory_space<vmem>>
    %dma_start3A_20 = arith.constant 0 : i32
    %dma_start3A_21 = arith.constant 0 : i32
    %dma_start3A_22 = tpu.memref_slice %arg2[%dma_start3A_20, %dma_start3A_21] : memref<36864x768xf32, #tpu.memory_space<hbm>> -> memref<36864x768xf32, #tpu.memory_space<hbm>>
    tpu.enqueue_indirect_dma source(%dma_start3A_22 : memref<36864x768xf32, #tpu.memory_space<hbm>>) target(%arg6 : memref<48x768xf32, #tpu.memory_space<vmem>>) offsets(%dma_start3A_19 : memref<48xi32, #tpu.memory_space<vmem>>) semaphore(%arg8 : memref<!tpu.dma_semaphore, #tpu.memory_space<semaphore_mem>>)
    %dma_wait3A_23 = arith.constant 48 : i32
    %dma_wait3A_24 = tpu.memref_slice %arg5[%dma_wait3A_23] : memref<288xi32, #tpu.memory_space<vmem>> -> memref<48xi32, #tpu.memory_space<vmem>>
    %dma_wait3A_25 = arith.constant 0 : i32
    %dma_wait3A_26 = arith.constant 0 : i32
    %dma_wait3A_27 = tpu.memref_slice %arg2[%dma_wait3A_25, %dma_wait3A_26] : memref<36864x768xf32, #tpu.memory_space<hbm>> -> memref<36864x768xf32, #tpu.memory_space<hbm>>
    tpu.wait_indirect_dma semaphore(%arg9 : memref<!tpu.dma_semaphore, #tpu.memory_space<semaphore_mem>>) src(%dma_wait3A_27 : memref<36864x768xf32, #tpu.memory_space<hbm>>) dst(%arg7 : memref<48x768xf32, #tpu.memory_space<vmem>>)
    %add3A_28 = arith.constant 48 : i32
    %add3A_29 = arith.addi %mul3A_2, %add3A_28 : i32
    "tpu.region"() ({
      %run_scoped3A = tpu.sem_alloc : memref<!tpu.dma_semaphore, #tpu.memory_space<semaphore_mem>>
      %dma_start3A_73 = arith.constant 0 : i32
      %dma_start3A_74 = tpu.memref_slice %arg4[%add3A_29, %dma_start3A_73] : memref<9216x768xf32, #tpu.memory_space<hbm>> -> memref<48x768xf32, #tpu.memory_space<hbm>>
      %dma_start3A_75 = arith.constant 0 : i32
      %dma_start3A_76 = tpu.memref_slice %arg4[%add3A_29, %dma_start3A_75] : memref<9216x768xf32, #tpu.memory_space<hbm>> -> memref<48x768xf32, #tpu.memory_space<hbm>>
      tpu.enqueue_dma source(%arg7 : memref<48x768xf32, #tpu.memory_space<vmem>>) target(%dma_start3A_76 : memref<48x768xf32, #tpu.memory_space<hbm>>) target_semaphore(%run_scoped3A : memref<!tpu.dma_semaphore, #tpu.memory_space<semaphore_mem>>)
      %dma_wait3A_77 = arith.constant 0 : i32
      %dma_wait3A_78 = tpu.memref_slice %arg4[%add3A_29, %dma_wait3A_77] : memref<9216x768xf32, #tpu.memory_space<hbm>> -> memref<48x768xf32, #tpu.memory_space<hbm>>
      %dma_wait3A_79 = arith.constant 0 : i32
      %dma_wait3A_80 = tpu.memref_slice %arg4[%add3A_29, %dma_wait3A_79] : memref<9216x768xf32, #tpu.memory_space<hbm>> -> memref<48x768xf32, #tpu.memory_space<hbm>>
      tpu.wait_dma2 semaphore(%run_scoped3A : memref<!tpu.dma_semaphore, #tpu.memory_space<semaphore_mem>>) src(%arg7 : memref<48x768xf32, #tpu.memory_space<vmem>>) dst(%dma_wait3A_80 : memref<48x768xf32, #tpu.memory_space<hbm>>)
      tpu.yield
    }) : () -> ()
    %dma_start3A_30 = arith.constant 144 : i32
    %dma_start3A_31 = tpu.memref_slice %arg5[%dma_start3A_30] : memref<288xi32, #tpu.memory_space<vmem>> -> memref<48xi32, #tpu.memory_space<vmem>>
    %dma_start3A_32 = arith.constant 0 : i32
    %dma_start3A_33 = arith.constant 0 : i32
    %dma_start3A_34 = tpu.memref_slice %arg2[%dma_start3A_32, %dma_start3A_33] : memref<36864x768xf32, #tpu.memory_space<hbm>> -> memref<36864x768xf32, #tpu.memory_space<hbm>>
    tpu.enqueue_indirect_dma source(%dma_start3A_34 : memref<36864x768xf32, #tpu.memory_space<hbm>>) target(%arg7 : memref<48x768xf32, #tpu.memory_space<vmem>>) offsets(%dma_start3A_31 : memref<48xi32, #tpu.memory_space<vmem>>) semaphore(%arg9 : memref<!tpu.dma_semaphore, #tpu.memory_space<semaphore_mem>>)
    %dma_wait3A_35 = arith.constant 96 : i32
    %dma_wait3A_36 = tpu.memref_slice %arg5[%dma_wait3A_35] : memref<288xi32, #tpu.memory_space<vmem>> -> memref<48xi32, #tpu.memory_space<vmem>>
    %dma_wait3A_37 = arith.constant 0 : i32
    %dma_wait3A_38 = arith.constant 0 : i32
    %dma_wait3A_39 = tpu.memref_slice %arg2[%dma_wait3A_37, %dma_wait3A_38] : memref<36864x768xf32, #tpu.memory_space<hbm>> -> memref<36864x768xf32, #tpu.memory_space<hbm>>
    tpu.wait_indirect_dma semaphore(%arg8 : memref<!tpu.dma_semaphore, #tpu.memory_space<semaphore_mem>>) src(%dma_wait3A_39 : memref<36864x768xf32, #tpu.memory_space<hbm>>) dst(%arg6 : memref<48x768xf32, #tpu.memory_space<vmem>>)
    %add3A_40 = arith.constant 96 : i32
    %add3A_41 = arith.addi %mul3A_2, %add3A_40 : i32
    "tpu.region"() ({
      %run_scoped3A = tpu.sem_alloc : memref<!tpu.dma_semaphore, #tpu.memory_space<semaphore_mem>>
      %dma_start3A_73 = arith.constant 0 : i32
      %dma_start3A_74 = tpu.memref_slice %arg4[%add3A_41, %dma_start3A_73] : memref<9216x768xf32, #tpu.memory_space<hbm>> -> memref<48x768xf32, #tpu.memory_space<hbm>>
      %dma_start3A_75 = arith.constant 0 : i32
      %dma_start3A_76 = tpu.memref_slice %arg4[%add3A_41, %dma_start3A_75] : memref<9216x768xf32, #tpu.memory_space<hbm>> -> memref<48x768xf32, #tpu.memory_space<hbm>>
      tpu.enqueue_dma source(%arg6 : memref<48x768xf32, #tpu.memory_space<vmem>>) target(%dma_start3A_76 : memref<48x768xf32, #tpu.memory_space<hbm>>) target_semaphore(%run_scoped3A : memref<!tpu.dma_semaphore, #tpu.memory_space<semaphore_mem>>)
      %dma_wait3A_77 = arith.constant 0 : i32
      %dma_wait3A_78 = tpu.memref_slice %arg4[%add3A_41, %dma_wait3A_77] : memref<9216x768xf32, #tpu.memory_space<hbm>> -> memref<48x768xf32, #tpu.memory_space<hbm>>
      %dma_wait3A_79 = arith.constant 0 : i32
      %dma_wait3A_80 = tpu.memref_slice %arg4[%add3A_41, %dma_wait3A_79] : memref<9216x768xf32, #tpu.memory_space<hbm>> -> memref<48x768xf32, #tpu.memory_space<hbm>>
      tpu.wait_dma2 semaphore(%run_scoped3A : memref<!tpu.dma_semaphore, #tpu.memory_space<semaphore_mem>>) src(%arg6 : memref<48x768xf32, #tpu.memory_space<vmem>>) dst(%dma_wait3A_80 : memref<48x768xf32, #tpu.memory_space<hbm>>)
      tpu.yield
    }) : () -> ()
    %dma_start3A_42 = arith.constant 192 : i32
    %dma_start3A_43 = tpu.memref_slice %arg5[%dma_start3A_42] : memref<288xi32, #tpu.memory_space<vmem>> -> memref<48xi32, #tpu.memory_space<vmem>>
    %dma_start3A_44 = arith.constant 0 : i32
    %dma_start3A_45 = arith.constant 0 : i32
    %dma_start3A_46 = tpu.memref_slice %arg2[%dma_start3A_44, %dma_start3A_45] : memref<36864x768xf32, #tpu.memory_space<hbm>> -> memref<36864x768xf32, #tpu.memory_space<hbm>>
    tpu.enqueue_indirect_dma source(%dma_start3A_46 : memref<36864x768xf32, #tpu.memory_space<hbm>>) target(%arg6 : memref<48x768xf32, #tpu.memory_space<vmem>>) offsets(%dma_start3A_43 : memref<48xi32, #tpu.memory_space<vmem>>) semaphore(%arg8 : memref<!tpu.dma_semaphore, #tpu.memory_space<semaphore_mem>>)
    %dma_wait3A_47 = arith.constant 144 : i32
    %dma_wait3A_48 = tpu.memref_slice %arg5[%dma_wait3A_47] : memref<288xi32, #tpu.memory_space<vmem>> -> memref<48xi32, #tpu.memory_space<vmem>>
    %dma_wait3A_49 = arith.constant 0 : i32
    %dma_wait3A_50 = arith.constant 0 : i32
    %dma_wait3A_51 = tpu.memref_slice %arg2[%dma_wait3A_49, %dma_wait3A_50] : memref<36864x768xf32, #tpu.memory_space<hbm>> -> memref<36864x768xf32, #tpu.memory_space<hbm>>
    tpu.wait_indirect_dma semaphore(%arg9 : memref<!tpu.dma_semaphore, #tpu.memory_space<semaphore_mem>>) src(%dma_wait3A_51 : memref<36864x768xf32, #tpu.memory_space<hbm>>) dst(%arg7 : memref<48x768xf32, #tpu.memory_space<vmem>>)
    %add3A_52 = arith.constant 144 : i32
    %add3A_53 = arith.addi %mul3A_2, %add3A_52 : i32
    "tpu.region"() ({
      %run_scoped3A = tpu.sem_alloc : memref<!tpu.dma_semaphore, #tpu.memory_space<semaphore_mem>>
      %dma_start3A_73 = arith.constant 0 : i32
      %dma_start3A_74 = tpu.memref_slice %arg4[%add3A_53, %dma_start3A_73] : memref<9216x768xf32, #tpu.memory_space<hbm>> -> memref<48x768xf32, #tpu.memory_space<hbm>>
      %dma_start3A_75 = arith.constant 0 : i32
      %dma_start3A_76 = tpu.memref_slice %arg4[%add3A_53, %dma_start3A_75] : memref<9216x768xf32, #tpu.memory_space<hbm>> -> memref<48x768xf32, #tpu.memory_space<hbm>>
      tpu.enqueue_dma source(%arg7 : memref<48x768xf32, #tpu.memory_space<vmem>>) target(%dma_start3A_76 : memref<48x768xf32, #tpu.memory_space<hbm>>) target_semaphore(%run_scoped3A : memref<!tpu.dma_semaphore, #tpu.memory_space<semaphore_mem>>)
      %dma_wait3A_77 = arith.constant 0 : i32
      %dma_wait3A_78 = tpu.memref_slice %arg4[%add3A_53, %dma_wait3A_77] : memref<9216x768xf32, #tpu.memory_space<hbm>> -> memref<48x768xf32, #tpu.memory_space<hbm>>
      %dma_wait3A_79 = arith.constant 0 : i32
      %dma_wait3A_80 = tpu.memref_slice %arg4[%add3A_53, %dma_wait3A_79] : memref<9216x768xf32, #tpu.memory_space<hbm>> -> memref<48x768xf32, #tpu.memory_space<hbm>>
      tpu.wait_dma2 semaphore(%run_scoped3A : memref<!tpu.dma_semaphore, #tpu.memory_space<semaphore_mem>>) src(%arg7 : memref<48x768xf32, #tpu.memory_space<vmem>>) dst(%dma_wait3A_80 : memref<48x768xf32, #tpu.memory_space<hbm>>)
      tpu.yield
    }) : () -> ()
    %dma_start3A_54 = arith.constant 240 : i32
    %dma_start3A_55 = tpu.memref_slice %arg5[%dma_start3A_54] : memref<288xi32, #tpu.memory_space<vmem>> -> memref<48xi32, #tpu.memory_space<vmem>>
    %dma_start3A_56 = arith.constant 0 : i32
    %dma_start3A_57 = arith.constant 0 : i32
    %dma_start3A_58 = tpu.memref_slice %arg2[%dma_start3A_56, %dma_start3A_57] : memref<36864x768xf32, #tpu.memory_space<hbm>> -> memref<36864x768xf32, #tpu.memory_space<hbm>>
    tpu.enqueue_indirect_dma source(%dma_start3A_58 : memref<36864x768xf32, #tpu.memory_space<hbm>>) target(%arg7 : memref<48x768xf32, #tpu.memory_space<vmem>>) offsets(%dma_start3A_55 : memref<48xi32, #tpu.memory_space<vmem>>) semaphore(%arg9 : memref<!tpu.dma_semaphore, #tpu.memory_space<semaphore_mem>>)
    %dma_wait3A_59 = arith.constant 192 : i32
    %dma_wait3A_60 = tpu.memref_slice %arg5[%dma_wait3A_59] : memref<288xi32, #tpu.memory_space<vmem>> -> memref<48xi32, #tpu.memory_space<vmem>>
    %dma_wait3A_61 = arith.constant 0 : i32
    %dma_wait3A_62 = arith.constant 0 : i32
    %dma_wait3A_63 = tpu.memref_slice %arg2[%dma_wait3A_61, %dma_wait3A_62] : memref<36864x768xf32, #tpu.memory_space<hbm>> -> memref<36864x768xf32, #tpu.memory_space<hbm>>
    tpu.wait_indirect_dma semaphore(%arg8 : memref<!tpu.dma_semaphore, #tpu.memory_space<semaphore_mem>>) src(%dma_wait3A_63 : memref<36864x768xf32, #tpu.memory_space<hbm>>) dst(%arg6 : memref<48x768xf32, #tpu.memory_space<vmem>>)
    %add3A_64 = arith.constant 192 : i32
    %add3A_65 = arith.addi %mul3A_2, %add3A_64 : i32
    "tpu.region"() ({
      %run_scoped3A = tpu.sem_alloc : memref<!tpu.dma_semaphore, #tpu.memory_space<semaphore_mem>>
      %dma_start3A_73 = arith.constant 0 : i32
      %dma_start3A_74 = tpu.memref_slice %arg4[%add3A_65, %dma_start3A_73] : memref<9216x768xf32, #tpu.memory_space<hbm>> -> memref<48x768xf32, #tpu.memory_space<hbm>>
      %dma_start3A_75 = arith.constant 0 : i32
      %dma_start3A_76 = tpu.memref_slice %arg4[%add3A_65, %dma_start3A_75] : memref<9216x768xf32, #tpu.memory_space<hbm>> -> memref<48x768xf32, #tpu.memory_space<hbm>>
      tpu.enqueue_dma source(%arg6 : memref<48x768xf32, #tpu.memory_space<vmem>>) target(%dma_start3A_76 : memref<48x768xf32, #tpu.memory_space<hbm>>) target_semaphore(%run_scoped3A : memref<!tpu.dma_semaphore, #tpu.memory_space<semaphore_mem>>)
      %dma_wait3A_77 = arith.constant 0 : i32
      %dma_wait3A_78 = tpu.memref_slice %arg4[%add3A_65, %dma_wait3A_77] : memref<9216x768xf32, #tpu.memory_space<hbm>> -> memref<48x768xf32, #tpu.memory_space<hbm>>
      %dma_wait3A_79 = arith.constant 0 : i32
      %dma_wait3A_80 = tpu.memref_slice %arg4[%add3A_65, %dma_wait3A_79] : memref<9216x768xf32, #tpu.memory_space<hbm>> -> memref<48x768xf32, #tpu.memory_space<hbm>>
      tpu.wait_dma2 semaphore(%run_scoped3A : memref<!tpu.dma_semaphore, #tpu.memory_space<semaphore_mem>>) src(%arg6 : memref<48x768xf32, #tpu.memory_space<vmem>>) dst(%dma_wait3A_80 : memref<48x768xf32, #tpu.memory_space<hbm>>)
      tpu.yield
    }) : () -> ()
    %dma_wait3A_66 = arith.constant 240 : i32
    %dma_wait3A_67 = tpu.memref_slice %arg5[%dma_wait3A_66] : memref<288xi32, #tpu.memory_space<vmem>> -> memref<48xi32, #tpu.memory_space<vmem>>
    %dma_wait3A_68 = arith.constant 0 : i32
    %dma_wait3A_69 = arith.constant 0 : i32
    %dma_wait3A_70 = tpu.memref_slice %arg2[%dma_wait3A_68, %dma_wait3A_69] : memref<36864x768xf32, #tpu.memory_space<hbm>> -> memref<36864x768xf32, #tpu.memory_space<hbm>>
    tpu.wait_indirect_dma semaphore(%arg9 : memref<!tpu.dma_semaphore, #tpu.memory_space<semaphore_mem>>) src(%dma_wait3A_70 : memref<36864x768xf32, #tpu.memory_space<hbm>>) dst(%arg7 : memref<48x768xf32, #tpu.memory_space<vmem>>)
    %add3A_71 = arith.constant 240 : i32
    %add3A_72 = arith.addi %mul3A_2, %add3A_71 : i32
    "tpu.region"() ({
      %run_scoped3A = tpu.sem_alloc : memref<!tpu.dma_semaphore, #tpu.memory_space<semaphore_mem>>
      %dma_start3A_73 = arith.constant 0 : i32
      %dma_start3A_74 = tpu.memref_slice %arg4[%add3A_72, %dma_start3A_73] : memref<9216x768xf32, #tpu.memory_space<hbm>> -> memref<48x768xf32, #tpu.memory_space<hbm>>
      %dma_start3A_75 = arith.constant 0 : i32
      %dma_start3A_76 = tpu.memref_slice %arg4[%add3A_72, %dma_start3A_75] : memref<9216x768xf32, #tpu.memory_space<hbm>> -> memref<48x768xf32, #tpu.memory_space<hbm>>
      tpu.enqueue_dma source(%arg7 : memref<48x768xf32, #tpu.memory_space<vmem>>) target(%dma_start3A_76 : memref<48x768xf32, #tpu.memory_space<hbm>>) target_semaphore(%run_scoped3A : memref<!tpu.dma_semaphore, #tpu.memory_space<semaphore_mem>>)
      %dma_wait3A_77 = arith.constant 0 : i32
      %dma_wait3A_78 = tpu.memref_slice %arg4[%add3A_72, %dma_wait3A_77] : memref<9216x768xf32, #tpu.memory_space<hbm>> -> memref<48x768xf32, #tpu.memory_space<hbm>>
      %dma_wait3A_79 = arith.constant 0 : i32
      %dma_wait3A_80 = tpu.memref_slice %arg4[%add3A_72, %dma_wait3A_79] : memref<9216x768xf32, #tpu.memory_space<hbm>> -> memref<48x768xf32, #tpu.memory_space<hbm>>
      tpu.wait_dma2 semaphore(%run_scoped3A : memref<!tpu.dma_semaphore, #tpu.memory_space<semaphore_mem>>) src(%arg7 : memref<48x768xf32, #tpu.memory_space<vmem>>) dst(%dma_wait3A_80 : memref<48x768xf32, #tpu.memory_space<hbm>>)
      tpu.yield
    }) : () -> ()
    return
  }
}

</mosaic_0001>

<sc_bundles>
// kernel: kernel.5.cloned.1.call-start
scs
__scs_entry_jumppad:
0x0: {  	(pc) =	sbr.rel $0x88, $3  }
0x1: {  	(tag) =	ssettag $0x0;
	lr =	simm.s32 $0x1  }
0x2: {  	[smem:$0x3FA0] =	sst lr;
	_ =	strace $0xD0000000  }
0x3: {  	_ = 	snop  }
0x4: {  	_ = 	snop  }
0x5: {  	_ = 	snop  }
0x6: {  	_ = 	snop  }
0x7: {  	_ = 	snop  }
__scs_overlays_trampoline_lowered:
0x8: {  	[smem:$0x3FAF] =	sst s0  }
0x9: {  	[smem:$0x3FB0] =	sst s1  }
0xa: {  	[smem:$0x3FB1] =	sst s2  }
0xb: {  	[smem:$0x3FB2] =	sst s3  }
0xc: {  	[smem:$0x3FB3] =	sst s4  }
0xd: {  	[smem:$0x3FB4] =	sst s5  }
0xe: {  	[smem:$0x3FB5] =	sst s6  }
0xf: {  	[smem:$0x3FB6] =	sst s7  }
0x10: {  	[smem:$0x3FB7] =	sst s8  }
0x11: {  	[smem:$0x3FB8] =	sst s9;
	s0 =	simm.s32 @!p0 $0x0  }
0x12: {  	s1 =	sld [smem:$0x3F9E];
	s0 =	simm.s32 @p0 $0x1  }
0x13: {  	[smem:$0x3FB9] =	sst s0;
	s0 =	simm.s32 @!p1 $0x0  }
0x14: {  	s2 =	sld [smem:$0x3F9D];
	s0 =	simm.s32 @p1 $0x1  }
0x15: {  	[smem:$0x3FBA] =	sst s0;
	s0 =	simm.s32 @!p2 $0x0  }
0x16: {  	s3 =	sld [smem:$0x3FDB];
	s0 =	simm.s32 @p2 $0x1  }
0x17: {  	s4 =	simm.s32 $0x1BF5;
	[smem:$0x3FBC] =	sst s0  }
0x18: {  	s0 =	sld [smem:$0x3F9F];
	_ =	swait.ge [sflag:s4], $0x0  }
0x19: {  	s7 =	sld [smem:$0x3FA0]  }
0x1a: {  	s8 =	sadd.s32 $0xFFFFE003, lr  }
0x1b: {  	s9 =	sadd.s32 $0xFFFFFEF7, lr;
	s5 =	simm.s32 $0xFFFFFFFF;
	p2 =	slt.u32 s8, $0xFFFFF086  }
0x1c: {  	p1 =	slt.u32 s9, $0xF7A;
	s5 =	simm.s32 @!p2 $0x0  }
0x1d: {  	s5 =	simm.s32 @p1 $0x1;
	p0 =	seq.s32 s7, s2  }
0x1e: {  	s7 =	smul.u32 @!p0 $0xF7A, s2;
	p2 =	seq.s32 @!p0 s5, $0x0  }
0x1f: {  	s9 =	smul.u32 $0xF7A, s1;
	s8 =	simm.s32 @!p0 $0x1BF5;
	p2 =	por !p2, p0  }
0x20: {  	[sflag:s8] =	ssyncset.s32 @!p0 $0xFFFFF086;
	s6 =	sadd.s32 @!p0 s3, s7;
	s7 =	simm.s32 @!p0 $0x108  }
0x21: {  	s3 =	sadd.s32 s3, s9;
	s6 =	sadd.s32 @!p0 $0x88, s6;
	s7 =	simm.s32 @p2 $0x1082  }
0x22: {  	[simem:s7], [sflag:s8] =	dma.local @!p0 [hbm:s6], $0xF7A  }
0x23: {  	s9 =	sor.u32 $0xD0000000, s2;
	s6 =	simm.s32 $0x108;
	_ =	swait.ge @!p0 [sflag:s8], $0x0  }
0x24: {  	s3 =	sadd.s32 $0x88, s3;
	s6 =	simm.s32 @!p1 $0x1082;
	[sflag:s4] =	ssyncset.s32 $0xFFFFF086  }
0x25: {  	[simem:s6], [sflag:s4] =	dma.local [hbm:s3], $0xF7A  }
0x26: {  	[smem:$0x3FA0] =	sst s1;
	(tag) =	ssettag s2;
	_ =	strace s9  }
0x27: {  	s1 =	sld [smem:$0x3FB0]  }
0x28: {  	s2 =	sld [smem:$0x3FB1]  }
0x29: {  	s4 =	sld [smem:$0x3FB3]  }
0x2a: {  	p0 =	seq.s32 s5, $0x0;
	s5 =	sld [smem:$0x3FB4]  }
0x2b: {  	s6 =	sld [smem:$0x3FB5]  }
0x2c: {  	s7 =	sld [smem:$0x3FB6]  }
0x2d: {  	s3 =	simm.s32 $0x108;
	s8 =	sld [smem:$0x3FB7]  }
0x2e: {  	s3 =	simm.s32 @!p0 $0x1082;
	s9 =	sld [smem:$0x3FB8]  }
0x2f: {  	lr =	sadd.s32 s0, s3;
	s0 =	sld [smem:$0x3FAF]  }
0x30: {  	s3 =	sld [smem:$0x3FB2]  }
0x31: {  	[smem:$0x3FBB] =	sst s10  }
0x32: {  	s10 =	sld [smem:$0x3FB9];
	_ =	sdelay $0x3  }
0x33: {  	p0 =	seq.s32 s10, $0x1;
	s10 =	sld [smem:$0x3FBB];
	_ =	sdelay $0x3  }
0x34: {  	[smem:$0x3FBB] =	sst s10  }
0x35: {  	s10 =	sld [smem:$0x3FBA];
	_ =	sdelay $0x3  }
0x36: {  	p1 =	seq.s32 s10, $0x1;
	s10 =	sld [smem:$0x3FBB];
	_ =	sdelay $0x3  }
0x37: {  	[smem:$0x3FBB] =	sst s10  }
0x38: {  	s10 =	sld [smem:$0x3FBC]  }
0x39: {  	_ = 	snop;
	(pc) =	sbr.ind lr, $3  }
0x3a: {  	_ = 	snop  }
0x3b: {  	_ = 	snop  }
0x3c: {  	p2 =	seq.s32 s10, $0x1;
	s10 =	sld [smem:$0x3FBB]  }
0x3d: {  	_ =	shalt  }
0x3e: {  	_ =	shalt  }
0x3f: {  	_ =	shalt  }
0x40: {  	_ =	shalt  }
0x41: {  	_ =	shalt  }
0x42: {  	_ =	shalt  }
0x43: {  	_ =	shalt  }
0x44: {  	_ =	shalt  }
0x45: {  	_ =	shalt  }
0x46: {  	_ =	shalt  }
0x47: {  	_ =	shalt  }
0x48: {  	_ =	shalt  }
0x49: {  	_ =	shalt  }
0x4a: {  	_ =	shalt  }
0x4b: {  	_ =	shalt  }
0x4c: {  	_ =	shalt  }
0x4d: {  	_ =	shalt  }
0x4e: {  	_ =	shalt  }
0x4f: {  	_ =	shalt  }
0x50: {  	_ =	shalt  }
0x51: {  	_ =	shalt  }
0x52: {  	_ =	shalt  }
0x53: {  	_ =	shalt  }
0x54: {  	_ =	shalt  }
0x55: {  	_ =	shalt  }
0x56: {  	_ =	shalt  }
0x57: {  	_ =	shalt  }
0x58: {  	_ =	shalt  }
0x59: {  	_ =	shalt  }
0x5a: {  	_ =	shalt  }
0x5b: {  	_ =	shalt  }
0x5c: {  	_ =	shalt  }
0x5d: {  	_ =	shalt  }
0x5e: {  	_ =	shalt  }
0x5f: {  	_ =	shalt  }
0x60: {  	_ =	shalt  }
0x61: {  	_ =	shalt  }
0x62: {  	_ =	shalt  }
0x63: {  	_ =	shalt  }
0x64: {  	_ =	shalt  }
0x65: {  	_ =	shalt  }
0x66: {  	_ =	shalt  }
0x67: {  	_ =	shalt  }
0x68: {  	_ =	shalt  }
0x69: {  	_ =	shalt  }
0x6a: {  	_ =	shalt  }
0x6b: {  	_ =	shalt  }
0x6c: {  	_ =	shalt  }
0x6d: {  	_ =	shalt  }
0x6e: {  	_ =	shalt  }
0x6f: {  	_ =	shalt  }
0x70: {  	_ =	shalt  }
0x71: {  	_ =	shalt  }
0x72: {  	_ =	shalt  }
0x73: {  	_ =	shalt  }
0x74: {  	_ =	shalt  }
0x75: {  	_ =	shalt  }
0x76: {  	_ =	shalt  }
0x77: {  	_ =	shalt  }
0x78: {  	_ =	shalt  }
0x79: {  	_ =	shalt  }
0x7a: {  	_ =	shalt  }
0x7b: {  	_ =	shalt  }
0x7c: {  	_ =	shalt  }
0x7d: {  	_ =	shalt  }
0x7e: {  	_ =	shalt  }
0x7f: {  	_ =	shalt  }
0x80: {  	_ =	shalt  }
0x81: {  	_ =	shalt  }
0x82: {  	_ =	shalt  }
0x83: {  	_ =	shalt  }
0x84: {  	_ =	shalt  }
0x85: {  	_ =	shalt  }
0x86: {  	_ =	shalt  }
0x87: {  	_ =	shalt  }
.Lfunc_end0:
.L_simem_size_0:
called_computation_lowered:
.L_overlay_start_0:
0x88: {  	s2 =	sld [smem:$0x3FD9]  }
0x89: {  	s3 =	sld [smem:$0x3FFE];
	_ =	sdelay $0x1  }
0x8a: {  	s1 =	srdreg.scid  }
0x8b: {  	s0 =	sand.u32 $0x1, s1  }
0x8c: {  	s14 =	sshll.u32 s0, $0xA;
	s2 =	sadd.s32 s3, s2  }
0x8d: {  	s2 =	sadd.s32 s2, s14  }
0x8e: {  	[smem:$0x3FC7] =	sst s2  }
0x8f: {  	_ = 	snop  }
0x90: {  	s2 =	sld [smem:$0x3FD0];
	_ =	sdelay $0x2  }
0x91: {  	s4 =	simm.s32 $0xA;
	s5 =	simm.s32 $0x10;
	s15 =	sld [smem:$0x3FC9]  }
0x92: {  	[smem:s5], [sflag:s4] =	dma.local [hbm:s2], $0x1  }
0x93: {  	_ =	swait.eq [sflag:s4], $0x1  }
0x94: {  	[sflag:s4] =	ssyncset.done $0x0  }
0x95: {  	[sflag:s4] =	ssyncadd.s32 $0xFFFFFFFF  }
0x96: {  	s16 =	sld [smem:$0x10];
	(tm) =	ssettm $0x1  }
0x97: {  	s17 =	sld [smem:$0x3FFB];
	_ =	sdelay $0x3  }
0x98: {  	_ =	strace s17  }
0x99: {  	s4 =	sld [smem:$0x3FFC];
	_ =	sdelay $0x3  }
0x9a: {  	_ =	strace s4  }
0x9b: {  	s4 =	sld [smem:$0x3FFD];
	_ =	sdelay $0x3  }
0x9c: {  	_ =	strace s4  }
0x9d: {  	_ =	strace $0x8FFFFFFF  }
0x9e: {  	s18 =	sld [smem:$0x3FDB];
	_ =	sdelay $0x1  }
0x9f: {  	s19 =	simm.s32 $_scs_section_size  }
0xa0: {  	s6 =	simm.s32 $_size__tile_overlayer_lowered;
	s7 =	simm.s32 $_tile_overlayer_lowered  }
0xa1: {  	s22 =	simm.s32 $0x1BFF;
	s21 =	sshll.u32 s7, $0x1;
	s4 =	sadd.s32 s19, s18  }
0xa2: {  	s8 =	simm.s32 $0x0;
	s20 =	sshll.u32 s6, $0x1;
	s6 =	sadd.s32 s21, s4  }
0xa3: {  	[timem:s8], [sflag:s22] =	dma.local [hbm:s6], s20  }
0xa4: {  	_ =	swait.ge [sflag:s22], s20  }
0xa5: {  	s5 =	ssub.s32 $0x0, s20;
	[sflag:s22] =	ssyncset.done $0x0  }
0xa6: {  	[sflag:s22] =	ssyncadd.s32 s5;
	_ =	sdelay $0x1  }
0xa7: {  	s23 =	simm.s32 $0x1B8B  }
0xa8: {  	_ =	swait.ge [sflag:s23], $0x1  }
0xa9: {  	[sflag:s23] =	ssyncset.done $0x0  }
0xaa: {  	s25 =	simm.s32 $0x1B8E;
	s24 =	sld [smem:$0x3FFE];
	[sflag:s23] =	ssyncadd.s32 $0xFFFFFFFF  }
0xab: {  	s26 =	simm.s32 $execute0_lowered;
	[smem:$0x3FD2] =	sst s25  }
0xac: {  	s6 =	sshll.u32 s26, $0x1;
	_ =	strace $0x80000046;
	[dreg:$0x1] =	wrdreg $0xFFFFFFFF  }
0xad: {  	s28 =	simm.s32 $_size_execute0_lowered;
	s4 =	sadd.s32 s4, s6;
	[dreg:$0x0] =	wrdreg $0x0  }
0xae: {  	s6 =	sshll.u32 s28, $0x1;
	[dreg:$0x2] =	wrdreg s4  }
0xaf: {  	[dreg:$0x3] =	wrdreg s6  }
0xb0: {  	[dreg:$0x4] =	wrdreg $0xC0  }
0xb1: {  	_ =	task [dreg:s8], $0x5FFFF  }
0xb2: {  	[dreg:$0x1] =	wrdreg $0xFFFFFFFF  }
0xb3: {  	[dreg:$0x0] =	wrdreg $0x60  }
0xb4: {  	[dreg:$0x2] =	wrdreg s15  }
0xb5: {  	[dreg:$0x3] =	wrdreg s24  }
0xb6: {  	[dreg:$0x4] =	wrdreg s16  }
0xb7: {  	[dreg:$0x5] =	wrdreg $0x9  }
0xb8: {  	_ =	task.clear_ibuf [dreg:s8], $0x6FFFF;
	_ =	strace $0x90000046  }
0xb9: {  	s29 =	simm.s32 $0x9;
	_ =	strace $0x80000048  }
0xba: {  	_ =	swait.ge [sflag:s29], $0x1  }
0xbb: {  	[sflag:s29] =	ssyncadd.s32 $0xFFFFFFFF  }
0xbc: {  	_ =	strace $0x90000048  }
0xbd: {  	_ =	sfence  }
0xbe: {  	s30 =	sld [smem:$0x0];
	_ =	sdelay $0x2  }
0xbf: {  	s31 =	sshll.u32 s1, $0xD;
	s1 =	sshrl.u32 s1, $0x2  }
0xc0: {  	s3 =	sand.u32 $0x4000, s31;
	s1 =	sadd.s32 s1, s30  }
0xc1: {  	s0 =	sor.u32 s3, s0;
	s1 =	sshll.u32 s1, $0x11  }
0xc2: {  	s0 =	sor.u32 s1, s0  }
0xc3: {  	s0 =	sadd.s32 $0x8F2B, s0  }
0xc4: {  	[sflag:s0] =	ssyncadd.remote.s32 $0x1  }
0xc5: {  	_ =	sfence.sel $0xFFFF  }
0xc6: {  	[dreg:$0x0] =	wrdreg $0xFFFFFFFF;
	(pc) =	sbr.abs _section_cstart, $3  }
0xc7: {  	[dreg:$0x1] =	wrdreg $0xFFFFFFFF  }
0xc8: {  	_ =	task.clear_ibuf [dreg:s8], $0x2FFFF;
	_ =	strace $0x9FFFFFFF  }
0xc9: {  	(tm) =	ssettm $0x7FFFFFFF  }
tec
execute0_lowered:
.L_overlay_start_1:
0x0: {  	(tag) =	ssettag $0x1  }
0x1: {  	s0 =	srdreg.scid;
	s2 =	rddreg [dreg:$0x0]  }
0x2: {  	s1 =	stileid.u32;
	s4 =	rddreg [dreg:$0x1]  }
0x3: {  	s5 =	rddreg [dreg:$0x2];
	s3 =	simm.s32 $0x0;
	s8 =	simm.s32 $0x3  }
0x4: {  	s28 =	simm.s32 $0x180;
	s29 =	simm.s32 $0x2180;
	s30 =	simm.s32 $0x2980  }
0x5: {  	s31 =	simm.s32 $0x3180;
	s9 =	simm.s32 $0x4180;
	s10 =	simm.s32 $0x5180  }
0x6: {  	s11 =	simm.s32 $0x5980;
	s0 =	sand.u32 $0x1, s0;
	s1 =	sshll.u32 s1, $0x1  }
0x7: {  	s12 =	simm.s32 $0x6180;
	s13 =	simm.s32 $0x6980;
	s1 =	sor.u32 s0, s1  }
0x8: {  	s14 =	simm.s32 $0x7180;
	s15 =	simm.s32 $0x7980;
	s1 =	smul.u32 $0x120, s1  }
0x9: {  	s16 =	simm.s32 $0x8180;
	s17 =	simm.s32 $0x8980;
	s18 =	simm.s32 $0x9980  }
0xa: {  	s19 =	simm.s32 $0xA180;
	s20 =	simm.s32 $0xA980;
	s1 =	sshrl.u32 s1, $0x3  }
0xb: {  	[smem:$0x7FF] =	sst s3;
	s0 =	ssub.s32 $0x2, s0;
	s6 =	smul.u32 $0x300, s1  }
0xc: {  	_ =	strace $0x80000047;
	s23 =	sshrl.u32 s0, $0x1;
	s1 =	sadd.s32 s4, s1  }
0xd: {  	s0 =	ssub.s32 s0, s23;
	[dreg:$0x4] =	wrdreg s1;
	s6 =	sadd.s32 s5, s6  }
0xe: {  	s7 =	smax.u32 s0, $0x1;
	s21 =	sadd.s32 $0x1200, s6;
	[dreg:$0xa] =	wrdreg s6  }
0xf: {  	s0 =	simm.s32 $0x9180;
	s22 =	sadd.s32 $0x2400, s6;
	[dreg:$0x5] =	wrdreg s21  }
0x10: {  	s4 =	simm.s32 $0x4980;
	s24 =	sadd.s32 $0x3600, s6;
	[dreg:$0x6] =	wrdreg s22  }
0x11: {  	s5 =	sadd.s32 $0x100, s2;
	s25 =	sadd.s32 $0x4800, s6;
	[dreg:$0x7] =	wrdreg s24  }
0x12: {  	v2 =	vlaneseq.u32;
	s26 =	sadd.s32 $0x5A00, s6;
	s6 =	sadd.s32 $0x200, s2;
	[dreg:$0x8] =	wrdreg s25  }
0x13: {  	vm0 =	vmmov $0xffff;
	v1 =	vshrl.u32 v2, $0x3;
	[dreg:$0x9] =	wrdreg s26;
	s21 =	simm.s32 $0x1;
	s22 =	simm.s32 $0x2  }
0x14: {  	v0 =	vand.u32 $0x7, v2;
	v2 =	vor.u32 $0x8, v2;
	v1 =	vmul.u32 $0x8, v1;
	s24 =	simm.s32 $0x980;
	s25 =	simm.s32 $0x1180;
	s26 =	simm.s32 $0x1980  }
.LBB2_1:
0x15: {  	s23 =	rddreg [dreg:$0x4]  }
0x16: {  	[tilespmem:s3], [sflag:$0x3] =	stream.linear.gather [hbm4b:s23+s3], $0x120, $0x38;
	[tilespmem:$0x12180] =	vst v63  }
0x17: {  	_ =	swait.ge [sflag:s8], $0x120  }
0x18: {  	[sflag:s8] =	ssyncset.done $0x0  }
0x19: {  	[sflag:s8] =	ssyncadd.s32 $0xFFFFFEE0  }
0x1a: {  	v3 =	vld [tilespmem:$0x0];
	_ =	sdelay $0x4  }
0x1b: {  	v4 =	vshrl.u32 v3, $0x3  }
0x1c: {  	v4 =	vmul.u32 $0x30, v4  }
0x1d: {  	v3 =	vand.u32 $0x7, v3  }
0x1e: {  	v3 =	vor.u32 v3, v4  }
0x1f: {  	v4 =	vperm.xlane v3, v0;
	_ =	sdelay $0x1  }
0x20: {  	v4 =	vadd.s32 v1, v4;
	_ =	sdelay $0x3  }
0x21: {  	v3 =	vperm.xlane v3, v2  }
0x22: {  	[tilespmem:s28], [sflag:$0x1] =	stream.indirect_vreg.gather [hbm4b:s2+s3], $0x80, v4, vm0, $0xb8;
	[tilespmem:$0x12180] =	vst v63  }
0x23: {  	v3 =	vadd.s32 v1, v3  }
0x24: {  	[tilespmem:s24], [sflag:$0x1] =	stream.indirect_vreg.gather [hbm4b:s5+s3], $0x80, v4, vm0, $0xb8;
	[tilespmem:$0x12180] =	vst v63  }
0x25: {  	_ = 	snop  }
0x26: {  	[tilespmem:s25], [sflag:$0x1] =	stream.indirect_vreg.gather [hbm4b:s6+s3], $0x80, v4, vm0, $0xb8;
	[tilespmem:$0x12180] =	vst v63  }
0x27: {  	_ = 	snop  }
0x28: {  	[tilespmem:s26], [sflag:$0x1] =	stream.indirect_vreg.gather [hbm4b:s2+s3], $0x80, v3, vm0, $0xb8;
	[tilespmem:$0x12180] =	vst v63  }
0x29: {  	_ = 	snop  }
0x2a: {  	[tilespmem:s29], [sflag:$0x1] =	stream.indirect_vreg.gather [hbm4b:s5+s3], $0x80, v3, vm0, $0xb8;
	[tilespmem:$0x12180] =	vst v63  }
0x2b: {  	_ = 	snop  }
0x2c: {  	[tilespmem:s30], [sflag:$0x1] =	stream.indirect_vreg.gather [hbm4b:s6+s3], $0x80, v3, vm0, $0xb8;
	[tilespmem:$0x12180] =	vst v63  }
0x2d: {  	v3 =	vld [tilespmem:$0x10];
	_ =	sdelay $0x4  }
0x2e: {  	v47 =	vshrl.u32 v3, $0x3  }
0x2f: {  	v4 =	vmul.u32 $0x30, v47  }
0x30: {  	v3 =	vand.u32 $0x7, v3  }
0x31: {  	v3 =	vor.u32 v3, v4  }
0x32: {  	v4 =	vperm.xlane v3, v0;
	_ =	sdelay $0x1  }
0x33: {  	v4 =	vadd.s32 v1, v4;
	_ =	sdelay $0x3  }
0x34: {  	v3 =	vperm.xlane v3, v2  }
0x35: {  	[tilespmem:s31], [sflag:$0x1] =	stream.indirect_vreg.gather [hbm4b:s2+s3], $0x80, v4, vm0, $0xb8;
	[tilespmem:$0x12180] =	vst v63  }
0x36: {  	s1 =	simm.s32 $0x3980;
	v3 =	vadd.s32 v1, v3  }
0x37: {  	[tilespmem:s1], [sflag:$0x1] =	stream.indirect_vreg.gather [hbm4b:s5+s3], $0x80, v4, vm0, $0xb8;
	[tilespmem:$0x12180] =	vst v63  }
0x38: {  	_ = 	snop  }
0x39: {  	[tilespmem:s9], [sflag:$0x1] =	stream.indirect_vreg.gather [hbm4b:s6+s3], $0x80, v4, vm0, $0xb8;
	[tilespmem:$0x12180] =	vst v63  }
0x3a: {  	_ = 	snop  }
0x3b: {  	[tilespmem:s4], [sflag:$0x1] =	stream.indirect_vreg.gather [hbm4b:s2+s3], $0x80, v3, vm0, $0xb8;
	[tilespmem:$0x12180] =	vst v63  }
0x3c: {  	_ = 	snop  }
0x3d: {  	[tilespmem:s10], [sflag:$0x1] =	stream.indirect_vreg.gather [hbm4b:s5+s3], $0x80, v3, vm0, $0xb8;
	[tilespmem:$0x12180] =	vst v63  }
0x3e: {  	_ = 	snop  }
0x3f: {  	[tilespmem:s11], [sflag:$0x1] =	stream.indirect_vreg.gather [hbm4b:s6+s3], $0x80, v3, vm0, $0xb8;
	[tilespmem:$0x12180] =	vst v63  }
0x40: {  	v3 =	vld [tilespmem:$0x20];
	_ =	sdelay $0x4  }
0x41: {  	v48 =	vshrl.u32 v3, $0x3  }
0x42: {  	v4 =	vmul.u32 $0x30, v48  }
0x43: {  	v3 =	vand.u32 $0x7, v3  }
0x44: {  	v3 =	vor.u32 v3, v4  }
0x45: {  	v4 =	vperm.xlane v3, v0;
	_ =	sdelay $0x1  }
0x46: {  	v4 =	vadd.s32 v1, v4;
	_ =	sdelay $0x3  }
0x47: {  	v3 =	vperm.xlane v3, v2  }
0x48: {  	[tilespmem:s12], [sflag:$0x1] =	stream.indirect_vreg.gather [hbm4b:s2+s3], $0x80, v4, vm0, $0xb8;
	[tilespmem:$0x12180] =	vst v63  }
0x49: {  	v3 =	vadd.s32 v1, v3  }
0x4a: {  	[tilespmem:s13], [sflag:$0x1] =	stream.indirect_vreg.gather [hbm4b:s5+s3], $0x80, v4, vm0, $0xb8;
	[tilespmem:$0x12180] =	vst v63  }
0x4b: {  	_ = 	snop  }
0x4c: {  	[tilespmem:s14], [sflag:$0x1] =	stream.indirect_vreg.gather [hbm4b:s6+s3], $0x80, v4, vm0, $0xb8;
	[tilespmem:$0x12180] =	vst v63  }
0x4d: {  	_ = 	snop  }
0x4e: {  	[tilespmem:s15], [sflag:$0x1] =	stream.indirect_vreg.gather [hbm4b:s2+s3], $0x80, v3, vm0, $0xb8;
	[tilespmem:$0x12180] =	vst v63  }
0x4f: {  	_ = 	snop  }
0x50: {  	[tilespmem:s16], [sflag:$0x1] =	stream.indirect_vreg.gather [hbm4b:s5+s3], $0x80, v3, vm0, $0xb8;
	[tilespmem:$0x12180] =	vst v63  }
0x51: {  	_ = 	snop  }
0x52: {  	[tilespmem:s17], [sflag:$0x1] =	stream.indirect_vreg.gather [hbm4b:s6+s3], $0x80, v3, vm0, $0xb8;
	[tilespmem:$0x12180] =	vst v63  }
0x53: {  	v3 =	vld [tilespmem:$0x30];
	_ =	sdelay $0x4  }
0x54: {  	v49 =	vshrl.u32 v3, $0x3  }
0x55: {  	v4 =	vmul.u32 $0x30, v49  }
0x56: {  	v3 =	vand.u32 $0x7, v3  }
0x57: {  	v3 =	vor.u32 v3, v4  }
0x58: {  	v4 =	vperm.xlane v3, v0;
	_ =	sdelay $0x1  }
0x59: {  	v4 =	vadd.s32 v1, v4;
	_ =	sdelay $0x3  }
0x5a: {  	v3 =	vperm.xlane v3, v2  }
0x5b: {  	[tilespmem:s0], [sflag:$0x2] =	stream.indirect_vreg.gather [hbm4b:s2+s3], $0x80, v4, vm0, $0xb8;
	[tilespmem:$0x12180] =	vst v63  }
0x5c: {  	v3 =	vadd.s32 v1, v3  }
0x5d: {  	[tilespmem:s18], [sflag:$0x2] =	stream.indirect_vreg.gather [hbm4b:s5+s3], $0x80, v4, vm0, $0xb8;
	[tilespmem:$0x12180] =	vst v63  }
0x5e: {  	_ = 	snop  }
0x5f: {  	[tilespmem:s19], [sflag:$0x2] =	stream.indirect_vreg.gather [hbm4b:s6+s3], $0x80, v4, vm0, $0xb8;
	[tilespmem:$0x12180] =	vst v63  }
0x60: {  	_ = 	snop  }
0x61: {  	[tilespmem:s20], [sflag:$0x2] =	stream.indirect_vreg.gather [hbm4b:s2+s3], $0x80, v3, vm0, $0xb8;
	[tilespmem:$0x12180] =	vst v63  }
0x62: {  	s23 =	simm.s32 $0xB180  }
0x63: {  	[tilespmem:s23], [sflag:$0x2] =	stream.indirect_vreg.gather [hbm4b:s5+s3], $0x80, v3, vm0, $0xb8;
	[tilespmem:$0x12180] =	vst v63  }
0x64: {  	s23 =	simm.s32 $0xB980  }
0x65: {  	[tilespmem:s23], [sflag:$0x2] =	stream.indirect_vreg.gather [hbm4b:s6+s3], $0x80, v3, vm0, $0xb8;
	[tilespmem:$0x12180] =	vst v63  }
0x66: {  	v3 =	vld [tilespmem:$0x40];
	_ =	sdelay $0x4  }
0x67: {  	v50 =	vshrl.u32 v3, $0x3  }
0x68: {  	v4 =	vmul.u32 $0x30, v50  }
0x69: {  	v3 =	vand.u32 $0x7, v3  }
0x6a: {  	v3 =	vor.u32 v3, v4  }
0x6b: {  	v4 =	vperm.xlane v3, v0;
	_ =	sdelay $0x1  }
0x6c: {  	v4 =	vadd.s32 v1, v4;
	_ =	sdelay $0x3  }
0x6d: {  	s23 =	simm.s32 $0xC180;
	v3 =	vperm.xlane v3, v2  }
0x6e: {  	[tilespmem:s23], [sflag:$0x2] =	stream.indirect_vreg.gather [hbm4b:s2+s3], $0x80, v4, vm0, $0xb8;
	[tilespmem:$0x12180] =	vst v63  }
0x6f: {  	v3 =	vadd.s32 v1, v3;
	s23 =	simm.s32 $0xC980  }
0x70: {  	[tilespmem:s23], [sflag:$0x2] =	stream.indirect_vreg.gather [hbm4b:s5+s3], $0x80, v4, vm0, $0xb8;
	[tilespmem:$0x12180] =	vst v63  }
0x71: {  	s23 =	simm.s32 $0xD180  }
0x72: {  	[tilespmem:s23], [sflag:$0x2] =	stream.indirect_vreg.gather [hbm4b:s6+s3], $0x80, v4, vm0, $0xb8;
	[tilespmem:$0x12180] =	vst v63  }
0x73: {  	s23 =	simm.s32 $0xD980  }
0x74: {  	[tilespmem:s23], [sflag:$0x2] =	stream.indirect_vreg.gather [hbm4b:s2+s3], $0x80, v3, vm0, $0xb8;
	[tilespmem:$0x12180] =	vst v63  }
0x75: {  	s23 =	simm.s32 $0xE180  }
0x76: {  	[tilespmem:s23], [sflag:$0x2] =	stream.indirect_vreg.gather [hbm4b:s5+s3], $0x80, v3, vm0, $0xb8;
	[tilespmem:$0x12180] =	vst v63  }
0x77: {  	s23 =	simm.s32 $0xE980  }
0x78: {  	[tilespmem:s23], [sflag:$0x2] =	stream.indirect_vreg.gather [hbm4b:s6+s3], $0x80, v3, vm0, $0xb8;
	[tilespmem:$0x12180] =	vst v63  }
0x79: {  	v3 =	vld [tilespmem:$0x50];
	_ =	sdelay $0x4  }
0x7a: {  	v51 =	vshrl.u32 v3, $0x3  }
0x7b: {  	v4 =	vmul.u32 $0x30, v51  }
0x7c: {  	v3 =	vand.u32 $0x7, v3  }
0x7d: {  	v3 =	vor.u32 v3, v4  }
0x7e: {  	v4 =	vperm.xlane v3, v0;
	_ =	sdelay $0x1  }
0x7f: {  	v4 =	vadd.s32 v1, v4;
	_ =	sdelay $0x3  }
0x80: {  	s23 =	simm.s32 $0xF180;
	v3 =	vperm.xlane v3, v2  }
0x81: {  	[tilespmem:s23], [sflag:$0x2] =	stream.indirect_vreg.gather [hbm4b:s2+s3], $0x80, v4, vm0, $0xb8;
	[tilespmem:$0x12180] =	vst v63  }
0x82: {  	v3 =	vadd.s32 v1, v3;
	s23 =	simm.s32 $0xF980  }
0x83: {  	[tilespmem:s23], [sflag:$0x2] =	stream.indirect_vreg.gather [hbm4b:s5+s3], $0x80, v4, vm0, $0xb8;
	[tilespmem:$0x12180] =	vst v63  }
0x84: {  	s23 =	simm.s32 $0x10180  }
0x85: {  	[tilespmem:s23], [sflag:$0x2] =	stream.indirect_vreg.gather [hbm4b:s6+s3], $0x80, v4, vm0, $0xb8;
	[tilespmem:$0x12180] =	vst v63  }
0x86: {  	s23 =	simm.s32 $0x10980  }
0x87: {  	[tilespmem:s23], [sflag:$0x2] =	stream.indirect_vreg.gather [hbm4b:s2+s3], $0x80, v3, vm0, $0xb8;
	[tilespmem:$0x12180] =	vst v63  }
0x88: {  	s23 =	simm.s32 $0x11180  }
0x89: {  	[tilespmem:s23], [sflag:$0x2] =	stream.indirect_vreg.gather [hbm4b:s5+s3], $0x80, v3, vm0, $0xb8;
	[tilespmem:$0x12180] =	vst v63  }
0x8a: {  	s23 =	simm.s32 $0x11980  }
0x8b: {  	[tilespmem:s23], [sflag:$0x2] =	stream.indirect_vreg.gather [hbm4b:s6+s3], $0x80, v3, vm0, $0xb8;
	[tilespmem:$0x12180] =	vst v63  }
0x8c: {  	_ =	swait.ge [sflag:s21], $0x9000  }
0x8d: {  	[sflag:s21] =	ssyncset.done $0x0  }
0x8e: {  	s23 =	rddreg [dreg:$0xa];
	[sflag:s21] =	ssyncadd.s32 $0xFFFF7000  }
0x8f: {  	[hbm4b:s23+s3] =	stream.linear.scatter [tilespmem:s28], [sflag:$0x3], $0x9000, $0x38;
	[tilespmem:$0x12180] =	vst v63  }
0x90: {  	_ =	swait.ge [sflag:s8], $0x9000  }
0x91: {  	[sflag:s8] =	ssyncset.done $0x0  }
0x92: {  	[sflag:s8] =	ssyncadd.s32 $0xFFFF7000  }
0x93: {  	v3 =	vld [tilespmem:$0x60];
	_ =	sdelay $0x4  }
0x94: {  	v52 =	vshrl.u32 v3, $0x3  }
0x95: {  	v4 =	vmul.u32 $0x30, v52  }
0x96: {  	v3 =	vand.u32 $0x7, v3  }
0x97: {  	v3 =	vor.u32 v3, v4  }
0x98: {  	v4 =	vperm.xlane v3, v0;
	_ =	sdelay $0x1  }
0x99: {  	v4 =	vadd.s32 v1, v4;
	_ =	sdelay $0x3  }
0x9a: {  	v3 =	vperm.xlane v3, v2  }
0x9b: {  	[tilespmem:s28], [sflag:$0x1] =	stream.indirect_vreg.gather [hbm4b:s2+s3], $0x80, v4, vm0, $0xb8;
	[tilespmem:$0x12180] =	vst v63  }
0x9c: {  	v3 =	vadd.s32 v1, v3  }
0x9d: {  	[tilespmem:s24], [sflag:$0x1] =	stream.indirect_vreg.gather [hbm4b:s5+s3], $0x80, v4, vm0, $0xb8;
	[tilespmem:$0x12180] =	vst v63  }
0x9e: {  	_ = 	snop  }
0x9f: {  	[tilespmem:s25], [sflag:$0x1] =	stream.indirect_vreg.gather [hbm4b:s6+s3], $0x80, v4, vm0, $0xb8;
	[tilespmem:$0x12180] =	vst v63  }
0xa0: {  	_ = 	snop  }
0xa1: {  	[tilespmem:s26], [sflag:$0x1] =	stream.indirect_vreg.gather [hbm4b:s2+s3], $0x80, v3, vm0, $0xb8;
	[tilespmem:$0x12180] =	vst v63  }
0xa2: {  	_ = 	snop  }
0xa3: {  	[tilespmem:s29], [sflag:$0x1] =	stream.indirect_vreg.gather [hbm4b:s5+s3], $0x80, v3, vm0, $0xb8;
	[tilespmem:$0x12180] =	vst v63  }
0xa4: {  	_ = 	snop  }
0xa5: {  	[tilespmem:s30], [sflag:$0x1] =	stream.indirect_vreg.gather [hbm4b:s6+s3], $0x80, v3, vm0, $0xb8;
	[tilespmem:$0x12180] =	vst v63  }
0xa6: {  	v3 =	vld [tilespmem:$0x70];
	_ =	sdelay $0x4  }
0xa7: {  	v53 =	vshrl.u32 v3, $0x3  }
0xa8: {  	v4 =	vmul.u32 $0x30, v53  }
0xa9: {  	v3 =	vand.u32 $0x7, v3  }
0xaa: {  	v3 =	vor.u32 v3, v4  }
0xab: {  	v4 =	vperm.xlane v3, v0;
	_ =	sdelay $0x1  }
0xac: {  	v4 =	vadd.s32 v1, v4;
	_ =	sdelay $0x3  }
0xad: {  	v3 =	vperm.xlane v3, v2  }
0xae: {  	[tilespmem:s31], [sflag:$0x1] =	stream.indirect_vreg.gather [hbm4b:s2+s3], $0x80, v4, vm0, $0xb8;
	[tilespmem:$0x12180] =	vst v63  }
0xaf: {  	v3 =	vadd.s32 v1, v3  }
0xb0: {  	[tilespmem:s1], [sflag:$0x1] =	stream.indirect_vreg.gather [hbm4b:s5+s3], $0x80, v4, vm0, $0xb8;
	[tilespmem:$0x12180] =	vst v63  }
0xb1: {  	_ = 	snop  }
0xb2: {  	[tilespmem:s9], [sflag:$0x1] =	stream.indirect_vreg.gather [hbm4b:s6+s3], $0x80, v4, vm0, $0xb8;
	[tilespmem:$0x12180] =	vst v63  }
0xb3: {  	_ = 	snop  }
0xb4: {  	[tilespmem:s4], [sflag:$0x1] =	stream.indirect_vreg.gather [hbm4b:s2+s3], $0x80, v3, vm0, $0xb8;
	[tilespmem:$0x12180] =	vst v63  }
0xb5: {  	_ = 	snop  }
0xb6: {  	[tilespmem:s10], [sflag:$0x1] =	stream.indirect_vreg.gather [hbm4b:s5+s3], $0x80, v3, vm0, $0xb8;
	[tilespmem:$0x12180] =	vst v63  }
0xb7: {  	_ = 	snop  }
0xb8: {  	[tilespmem:s11], [sflag:$0x1] =	stream.indirect_vreg.gather [hbm4b:s6+s3], $0x80, v3, vm0, $0xb8;
	[tilespmem:$0x12180] =	vst v63  }
0xb9: {  	v3 =	vld [tilespmem:$0x80];
	_ =	sdelay $0x4  }
0xba: {  	v54 =	vshrl.u32 v3, $0x3  }
0xbb: {  	v4 =	vmul.u32 $0x30, v54  }
0xbc: {  	v3 =	vand.u32 $0x7, v3  }
0xbd: {  	v3 =	vor.u32 v3, v4  }
0xbe: {  	v4 =	vperm.xlane v3, v0;
	_ =	sdelay $0x1  }
0xbf: {  	v4 =	vadd.s32 v1, v4;
	_ =	sdelay $0x3  }
0xc0: {  	v3 =	vperm.xlane v3, v2  }
0xc1: {  	[tilespmem:s12], [sflag:$0x1] =	stream.indirect_vreg.gather [hbm4b:s2+s3], $0x80, v4, vm0, $0xb8;
	[tilespmem:$0x12180] =	vst v63  }
0xc2: {  	v3 =	vadd.s32 v1, v3  }
0xc3: {  	[tilespmem:s13], [sflag:$0x1] =	stream.indirect_vreg.gather [hbm4b:s5+s3], $0x80, v4, vm0, $0xb8;
	[tilespmem:$0x12180] =	vst v63  }
0xc4: {  	_ = 	snop  }
0xc5: {  	[tilespmem:s14], [sflag:$0x1] =	stream.indirect_vreg.gather [hbm4b:s6+s3], $0x80, v4, vm0, $0xb8;
	[tilespmem:$0x12180] =	vst v63  }
0xc6: {  	_ = 	snop  }
0xc7: {  	[tilespmem:s15], [sflag:$0x1] =	stream.indirect_vreg.gather [hbm4b:s2+s3], $0x80, v3, vm0, $0xb8;
	[tilespmem:$0x12180] =	vst v63  }
0xc8: {  	_ = 	snop  }
0xc9: {  	[tilespmem:s16], [sflag:$0x1] =	stream.indirect_vreg.gather [hbm4b:s5+s3], $0x80, v3, vm0, $0xb8;
	[tilespmem:$0x12180] =	vst v63  }
0xca: {  	_ = 	snop  }
0xcb: {  	[tilespmem:s17], [sflag:$0x1] =	stream.indirect_vreg.gather [hbm4b:s6+s3], $0x80, v3, vm0, $0xb8;
	[tilespmem:$0x12180] =	vst v63  }
0xcc: {  	_ =	swait.ge [sflag:s22], $0x9000  }
0xcd: {  	[sflag:s22] =	ssyncset.done $0x0  }
0xce: {  	s23 =	rddreg [dreg:$0x5];
	[sflag:s22] =	ssyncadd.s32 $0xFFFF7000  }
0xcf: {  	[hbm4b:s23+s3] =	stream.linear.scatter [tilespmem:s0], [sflag:$0x3], $0x9000, $0x38;
	[tilespmem:$0x12180] =	vst v63  }
0xd0: {  	_ =	swait.ge [sflag:s8], $0x9000  }
0xd1: {  	[sflag:s8] =	ssyncset.done $0x0  }
0xd2: {  	[sflag:s8] =	ssyncadd.s32 $0xFFFF7000  }
0xd3: {  	v3 =	vld [tilespmem:$0x90];
	_ =	sdelay $0x4  }
0xd4: {  	v55 =	vshrl.u32 v3, $0x3  }
0xd5: {  	v4 =	vmul.u32 $0x30, v55  }
0xd6: {  	v3 =	vand.u32 $0x7, v3  }
0xd7: {  	v3 =	vor.u32 v3, v4  }
0xd8: {  	v4 =	vperm.xlane v3, v0;
	_ =	sdelay $0x1  }
0xd9: {  	v4 =	vadd.s32 v1, v4;
	_ =	sdelay $0x3  }
0xda: {  	v3 =	vperm.xlane v3, v2  }
0xdb: {  	[tilespmem:s0], [sflag:$0x2] =	stream.indirect_vreg.gather [hbm4b:s2+s3], $0x80, v4, vm0, $0xb8;
	[tilespmem:$0x12180] =	vst v63  }
0xdc: {  	v3 =	vadd.s32 v1, v3  }
0xdd: {  	[tilespmem:s18], [sflag:$0x2] =	stream.indirect_vreg.gather [hbm4b:s5+s3], $0x80, v4, vm0, $0xb8;
	[tilespmem:$0x12180] =	vst v63  }
0xde: {  	_ = 	snop  }
0xdf: {  	[tilespmem:s19], [sflag:$0x2] =	stream.indirect_vreg.gather [hbm4b:s6+s3], $0x80, v4, vm0, $0xb8;
	[tilespmem:$0x12180] =	vst v63  }
0xe0: {  	_ = 	snop  }
0xe1: {  	[tilespmem:s20], [sflag:$0x2] =	stream.indirect_vreg.gather [hbm4b:s2+s3], $0x80, v3, vm0, $0xb8;
	[tilespmem:$0x12180] =	vst v63  }
0xe2: {  	s23 =	simm.s32 $0xB180  }
0xe3: {  	[tilespmem:s23], [sflag:$0x2] =	stream.indirect_vreg.gather [hbm4b:s5+s3], $0x80, v3, vm0, $0xb8;
	[tilespmem:$0x12180] =	vst v63  }
0xe4: {  	s23 =	simm.s32 $0xB980  }
0xe5: {  	[tilespmem:s23], [sflag:$0x2] =	stream.indirect_vreg.gather [hbm4b:s6+s3], $0x80, v3, vm0, $0xb8;
	[tilespmem:$0x12180] =	vst v63  }
0xe6: {  	v3 =	vld [tilespmem:$0xA0];
	_ =	sdelay $0x4  }
0xe7: {  	v56 =	vshrl.u32 v3, $0x3  }
0xe8: {  	v4 =	vmul.u32 $0x30, v56  }
0xe9: {  	v3 =	vand.u32 $0x7, v3  }
0xea: {  	v3 =	vor.u32 v3, v4  }
0xeb: {  	v4 =	vperm.xlane v3, v0;
	_ =	sdelay $0x1  }
0xec: {  	v4 =	vadd.s32 v1, v4;
	_ =	sdelay $0x3  }
0xed: {  	s23 =	simm.s32 $0xC180;
	v3 =	vperm.xlane v3, v2  }
0xee: {  	[tilespmem:s23], [sflag:$0x2] =	stream.indirect_vreg.gather [hbm4b:s2+s3], $0x80, v4, vm0, $0xb8;
	[tilespmem:$0x12180] =	vst v63  }
0xef: {  	v3 =	vadd.s32 v1, v3;
	s23 =	simm.s32 $0xC980  }
0xf0: {  	[tilespmem:s23], [sflag:$0x2] =	stream.indirect_vreg.gather [hbm4b:s5+s3], $0x80, v4, vm0, $0xb8;
	[tilespmem:$0x12180] =	vst v63  }
0xf1: {  	s23 =	simm.s32 $0xD180  }
0xf2: {  	[tilespmem:s23], [sflag:$0x2] =	stream.indirect_vreg.gather [hbm4b:s6+s3], $0x80, v4, vm0, $0xb8;
	[tilespmem:$0x12180] =	vst v63  }
0xf3: {  	s23 =	simm.s32 $0xD980  }
0xf4: {  	[tilespmem:s23], [sflag:$0x2] =	stream.indirect_vreg.gather [hbm4b:s2+s3], $0x80, v3, vm0, $0xb8;
	[tilespmem:$0x12180] =	vst v63  }
0xf5: {  	s23 =	simm.s32 $0xE180  }
0xf6: {  	[tilespmem:s23], [sflag:$0x2] =	stream.indirect_vreg.gather [hbm4b:s5+s3], $0x80, v3, vm0, $0xb8;
	[tilespmem:$0x12180] =	vst v63  }
0xf7: {  	s23 =	simm.s32 $0xE980  }
0xf8: {  	[tilespmem:s23], [sflag:$0x2] =	stream.indirect_vreg.gather [hbm4b:s6+s3], $0x80, v3, vm0, $0xb8;
	[tilespmem:$0x12180] =	vst v63  }
0xf9: {  	v3 =	vld [tilespmem:$0xB0];
	_ =	sdelay $0x4  }
0xfa: {  	v57 =	vshrl.u32 v3, $0x3  }
0xfb: {  	v4 =	vmul.u32 $0x30, v57  }
0xfc: {  	v3 =	vand.u32 $0x7, v3  }
0xfd: {  	v3 =	vor.u32 v3, v4  }
0xfe: {  	v4 =	vperm.xlane v3, v0;
	_ =	sdelay $0x1  }
0xff: {  	v4 =	vadd.s32 v1, v4;
	_ =	sdelay $0x3  }
0x100: {  	s23 =	simm.s32 $0xF180;
	v3 =	vperm.xlane v3, v2  }
0x101: {  	[tilespmem:s23], [sflag:$0x2] =	stream.indirect_vreg.gather [hbm4b:s2+s3], $0x80, v4, vm0, $0xb8;
	[tilespmem:$0x12180] =	vst v63  }
0x102: {  	v3 =	vadd.s32 v1, v3;
	s23 =	simm.s32 $0xF980  }
0x103: {  	[tilespmem:s23], [sflag:$0x2] =	stream.indirect_vreg.gather [hbm4b:s5+s3], $0x80, v4, vm0, $0xb8;
	[tilespmem:$0x12180] =	vst v63  }
0x104: {  	s23 =	simm.s32 $0x10180  }
0x105: {  	[tilespmem:s23], [sflag:$0x2] =	stream.indirect_vreg.gather [hbm4b:s6+s3], $0x80, v4, vm0, $0xb8;
	[tilespmem:$0x12180] =	vst v63  }
0x106: {  	s23 =	simm.s32 $0x10980  }
0x107: {  	[tilespmem:s23], [sflag:$0x2] =	stream.indirect_vreg.gather [hbm4b:s2+s3], $0x80, v3, vm0, $0xb8;
	[tilespmem:$0x12180] =	vst v63  }
0x108: {  	s23 =	simm.s32 $0x11180  }
0x109: {  	[tilespmem:s23], [sflag:$0x2] =	stream.indirect_vreg.gather [hbm4b:s5+s3], $0x80, v3, vm0, $0xb8;
	[tilespmem:$0x12180] =	vst v63  }
0x10a: {  	s23 =	simm.s32 $0x11980  }
0x10b: {  	[tilespmem:s23], [sflag:$0x2] =	stream.indirect_vreg.gather [hbm4b:s6+s3], $0x80, v3, vm0, $0xb8;
	[tilespmem:$0x12180] =	vst v63  }
0x10c: {  	_ =	swait.ge [sflag:s21], $0x9000  }
0x10d: {  	[sflag:s21] =	ssyncset.done $0x0  }
0x10e: {  	s23 =	rddreg [dreg:$0x6];
	[sflag:s21] =	ssyncadd.s32 $0xFFFF7000  }
0x10f: {  	[hbm4b:s23+s3] =	stream.linear.scatter [tilespmem:s28], [sflag:$0x3], $0x9000, $0x38;
	[tilespmem:$0x12180] =	vst v63  }
0x110: {  	_ =	swait.ge [sflag:s8], $0x9000  }
0x111: {  	[sflag:s8] =	ssyncset.done $0x0  }
0x112: {  	[sflag:s8] =	ssyncadd.s32 $0xFFFF7000  }
0x113: {  	v3 =	vld [tilespmem:$0xC0];
	_ =	sdelay $0x4  }
0x114: {  	v58 =	vshrl.u32 v3, $0x3  }
0x115: {  	v4 =	vmul.u32 $0x30, v58  }
0x116: {  	v3 =	vand.u32 $0x7, v3  }
0x117: {  	v3 =	vor.u32 v3, v4  }
0x118: {  	v4 =	vperm.xlane v3, v0;
	_ =	sdelay $0x1  }
0x119: {  	v4 =	vadd.s32 v1, v4;
	_ =	sdelay $0x3  }
0x11a: {  	v3 =	vperm.xlane v3, v2  }
0x11b: {  	[tilespmem:s28], [sflag:$0x1] =	stream.indirect_vreg.gather [hbm4b:s2+s3], $0x80, v4, vm0, $0xb8;
	[tilespmem:$0x12180] =	vst v63  }
0x11c: {  	v3 =	vadd.s32 v1, v3  }
0x11d: {  	[tilespmem:s24], [sflag:$0x1] =	stream.indirect_vreg.gather [hbm4b:s5+s3], $0x80, v4, vm0, $0xb8;
	[tilespmem:$0x12180] =	vst v63  }
0x11e: {  	_ = 	snop  }
0x11f: {  	[tilespmem:s25], [sflag:$0x1] =	stream.indirect_vreg.gather [hbm4b:s6+s3], $0x80, v4, vm0, $0xb8;
	[tilespmem:$0x12180] =	vst v63  }
0x120: {  	_ = 	snop  }
0x121: {  	[tilespmem:s26], [sflag:$0x1] =	stream.indirect_vreg.gather [hbm4b:s2+s3], $0x80, v3, vm0, $0xb8;
	[tilespmem:$0x12180] =	vst v63  }
0x122: {  	_ = 	snop  }
0x123: {  	[tilespmem:s29], [sflag:$0x1] =	stream.indirect_vreg.gather [hbm4b:s5+s3], $0x80, v3, vm0, $0xb8;
	[tilespmem:$0x12180] =	vst v63  }
0x124: {  	_ = 	snop  }
0x125: {  	[tilespmem:s30], [sflag:$0x1] =	stream.indirect_vreg.gather [hbm4b:s6+s3], $0x80, v3, vm0, $0xb8;
	[tilespmem:$0x12180] =	vst v63  }
0x126: {  	v3 =	vld [tilespmem:$0xD0];
	_ =	sdelay $0x4  }
0x127: {  	v59 =	vshrl.u32 v3, $0x3  }
0x128: {  	v4 =	vmul.u32 $0x30, v59  }
0x129: {  	v3 =	vand.u32 $0x7, v3  }
0x12a: {  	v3 =	vor.u32 v3, v4  }
0x12b: {  	v4 =	vperm.xlane v3, v0;
	_ =	sdelay $0x1  }
0x12c: {  	v4 =	vadd.s32 v1, v4;
	_ =	sdelay $0x3  }
0x12d: {  	v3 =	vperm.xlane v3, v2  }
0x12e: {  	[tilespmem:s31], [sflag:$0x1] =	stream.indirect_vreg.gather [hbm4b:s2+s3], $0x80, v4, vm0, $0xb8;
	[tilespmem:$0x12180] =	vst v63  }
0x12f: {  	v3 =	vadd.s32 v1, v3  }
0x130: {  	[tilespmem:s1], [sflag:$0x1] =	stream.indirect_vreg.gather [hbm4b:s5+s3], $0x80, v4, vm0, $0xb8;
	[tilespmem:$0x12180] =	vst v63  }
0x131: {  	_ = 	snop  }
0x132: {  	[tilespmem:s9], [sflag:$0x1] =	stream.indirect_vreg.gather [hbm4b:s6+s3], $0x80, v4, vm0, $0xb8;
	[tilespmem:$0x12180] =	vst v63  }
0x133: {  	_ = 	snop  }
0x134: {  	[tilespmem:s4], [sflag:$0x1] =	stream.indirect_vreg.gather [hbm4b:s2+s3], $0x80, v3, vm0, $0xb8;
	[tilespmem:$0x12180] =	vst v63  }
0x135: {  	_ = 	snop  }
0x136: {  	[tilespmem:s10], [sflag:$0x1] =	stream.indirect_vreg.gather [hbm4b:s5+s3], $0x80, v3, vm0, $0xb8;
	[tilespmem:$0x12180] =	vst v63  }
0x137: {  	_ = 	snop  }
0x138: {  	[tilespmem:s11], [sflag:$0x1] =	stream.indirect_vreg.gather [hbm4b:s6+s3], $0x80, v3, vm0, $0xb8;
	[tilespmem:$0x12180] =	vst v63  }
0x139: {  	v3 =	vld [tilespmem:$0xE0];
	_ =	sdelay $0x4  }
0x13a: {  	v60 =	vshrl.u32 v3, $0x3  }
0x13b: {  	v4 =	vmul.u32 $0x30, v60  }
0x13c: {  	v3 =	vand.u32 $0x7, v3  }
0x13d: {  	v3 =	vor.u32 v3, v4  }
0x13e: {  	v4 =	vperm.xlane v3, v0;
	_ =	sdelay $0x1  }
0x13f: {  	v4 =	vadd.s32 v1, v4;
	_ =	sdelay $0x3  }
0x140: {  	v3 =	vperm.xlane v3, v2  }
0x141: {  	[tilespmem:s12], [sflag:$0x1] =	stream.indirect_vreg.gather [hbm4b:s2+s3], $0x80, v4, vm0, $0xb8;
	[tilespmem:$0x12180] =	vst v63  }
0x142: {  	v3 =	vadd.s32 v1, v3  }
0x143: {  	[tilespmem:s13], [sflag:$0x1] =	stream.indirect_vreg.gather [hbm4b:s5+s3], $0x80, v4, vm0, $0xb8;
	[tilespmem:$0x12180] =	vst v63  }
0x144: {  	_ = 	snop  }
0x145: {  	[tilespmem:s14], [sflag:$0x1] =	stream.indirect_vreg.gather [hbm4b:s6+s3], $0x80, v4, vm0, $0xb8;
	[tilespmem:$0x12180] =	vst v63  }
0x146: {  	_ = 	snop  }
0x147: {  	[tilespmem:s15], [sflag:$0x1] =	stream.indirect_vreg.gather [hbm4b:s2+s3], $0x80, v3, vm0, $0xb8;
	[tilespmem:$0x12180] =	vst v63  }
0x148: {  	_ = 	snop  }
0x149: {  	[tilespmem:s16], [sflag:$0x1] =	stream.indirect_vreg.gather [hbm4b:s5+s3], $0x80, v3, vm0, $0xb8;
	[tilespmem:$0x12180] =	vst v63  }
0x14a: {  	_ = 	snop  }
0x14b: {  	[tilespmem:s17], [sflag:$0x1] =	stream.indirect_vreg.gather [hbm4b:s6+s3], $0x80, v3, vm0, $0xb8;
	[tilespmem:$0x12180] =	vst v63  }
0x14c: {  	_ =	swait.ge [sflag:s22], $0x9000  }
0x14d: {  	[sflag:s22] =	ssyncset.done $0x0  }
0x14e: {  	s1 =	rddreg [dreg:$0x7];
	[sflag:s22] =	ssyncadd.s32 $0xFFFF7000  }
0x14f: {  	[hbm4b:s1+s3] =	stream.linear.scatter [tilespmem:s0], [sflag:$0x3], $0x9000, $0x38;
	[tilespmem:$0x12180] =	vst v63  }
0x150: {  	_ =	swait.ge [sflag:s8], $0x9000  }
0x151: {  	[sflag:s8] =	ssyncset.done $0x0  }
0x152: {  	[sflag:s8] =	ssyncadd.s32 $0xFFFF7000  }
0x153: {  	v3 =	vld [tilespmem:$0xF0];
	_ =	sdelay $0x4  }
0x154: {  	v61 =	vshrl.u32 v3, $0x3  }
0x155: {  	v4 =	vmul.u32 $0x30, v61  }
0x156: {  	v3 =	vand.u32 $0x7, v3  }
0x157: {  	v3 =	vor.u32 v3, v4  }
0x158: {  	v4 =	vperm.xlane v3, v0;
	_ =	sdelay $0x1  }
0x159: {  	v4 =	vadd.s32 v1, v4;
	_ =	sdelay $0x3  }
0x15a: {  	v3 =	vperm.xlane v3, v2  }
0x15b: {  	[tilespmem:s0], [sflag:$0x2] =	stream.indirect_vreg.gather [hbm4b:s2+s3], $0x80, v4, vm0, $0xb8;
	[tilespmem:$0x12180] =	vst v63  }
0x15c: {  	v3 =	vadd.s32 v1, v3  }
0x15d: {  	[tilespmem:s18], [sflag:$0x2] =	stream.indirect_vreg.gather [hbm4b:s5+s3], $0x80, v4, vm0, $0xb8;
	[tilespmem:$0x12180] =	vst v63  }
0x15e: {  	_ = 	snop  }
0x15f: {  	[tilespmem:s19], [sflag:$0x2] =	stream.indirect_vreg.gather [hbm4b:s6+s3], $0x80, v4, vm0, $0xb8;
	[tilespmem:$0x12180] =	vst v63  }
0x160: {  	_ = 	snop  }
0x161: {  	[tilespmem:s20], [sflag:$0x2] =	stream.indirect_vreg.gather [hbm4b:s2+s3], $0x80, v3, vm0, $0xb8;
	[tilespmem:$0x12180] =	vst v63  }
0x162: {  	s23 =	simm.s32 $0xB180  }
0x163: {  	[tilespmem:s23], [sflag:$0x2] =	stream.indirect_vreg.gather [hbm4b:s5+s3], $0x80, v3, vm0, $0xb8;
	[tilespmem:$0x12180] =	vst v63  }
0x164: {  	s23 =	simm.s32 $0xB980  }
0x165: {  	[tilespmem:s23], [sflag:$0x2] =	stream.indirect_vreg.gather [hbm4b:s6+s3], $0x80, v3, vm0, $0xb8;
	[tilespmem:$0x12180] =	vst v63  }
0x166: {  	v3 =	vld [tilespmem:$0x100];
	_ =	sdelay $0x4  }
0x167: {  	v62 =	vshrl.u32 v3, $0x3  }
0x168: {  	v4 =	vmul.u32 $0x30, v62  }
0x169: {  	v3 =	vand.u32 $0x7, v3  }
0x16a: {  	v3 =	vor.u32 v3, v4  }
0x16b: {  	v4 =	vperm.xlane v3, v0;
	_ =	sdelay $0x1  }
0x16c: {  	v4 =	vadd.s32 v1, v4;
	_ =	sdelay $0x3  }
0x16d: {  	s23 =	simm.s32 $0xC180;
	v3 =	vperm.xlane v3, v2  }
0x16e: {  	[tilespmem:s23], [sflag:$0x2] =	stream.indirect_vreg.gather [hbm4b:s2+s3], $0x80, v4, vm0, $0xb8;
	[tilespmem:$0x12180] =	vst v63  }
0x16f: {  	v3 =	vadd.s32 v1, v3;
	s23 =	simm.s32 $0xC980  }
0x170: {  	[tilespmem:s23], [sflag:$0x2] =	stream.indirect_vreg.gather [hbm4b:s5+s3], $0x80, v4, vm0, $0xb8;
	[tilespmem:$0x12180] =	vst v63  }
0x171: {  	s23 =	simm.s32 $0xD180  }
0x172: {  	[tilespmem:s23], [sflag:$0x2] =	stream.indirect_vreg.gather [hbm4b:s6+s3], $0x80, v4, vm0, $0xb8;
	[tilespmem:$0x12180] =	vst v63  }
0x173: {  	s23 =	simm.s32 $0xD980  }
0x174: {  	[tilespmem:s23], [sflag:$0x2] =	stream.indirect_vreg.gather [hbm4b:s2+s3], $0x80, v3, vm0, $0xb8;
	[tilespmem:$0x12180] =	vst v63  }
0x175: {  	s23 =	simm.s32 $0xE180  }
0x176: {  	[tilespmem:s23], [sflag:$0x2] =	stream.indirect_vreg.gather [hbm4b:s5+s3], $0x80, v3, vm0, $0xb8;
	[tilespmem:$0x12180] =	vst v63  }
0x177: {  	s23 =	simm.s32 $0xE980  }
0x178: {  	[tilespmem:s23], [sflag:$0x2] =	stream.indirect_vreg.gather [hbm4b:s6+s3], $0x80, v3, vm0, $0xb8;
	[tilespmem:$0x12180] =	vst v63  }
0x179: {  	v3 =	vld [tilespmem:$0x110];
	_ =	sdelay $0x4  }
0x17a: {  	v63 =	vshrl.u32 v3, $0x3  }
0x17b: {  	v4 =	vmul.u32 $0x30, v63  }
0x17c: {  	v3 =	vand.u32 $0x7, v3  }
0x17d: {  	v3 =	vor.u32 v3, v4  }
0x17e: {  	v4 =	vperm.xlane v3, v0;
	_ =	sdelay $0x1  }
0x17f: {  	v4 =	vadd.s32 v1, v4;
	_ =	sdelay $0x3  }
0x180: {  	s23 =	simm.s32 $0xF180;
	v3 =	vperm.xlane v3, v2  }
0x181: {  	[tilespmem:s23], [sflag:$0x2] =	stream.indirect_vreg.gather [hbm4b:s2+s3], $0x80, v4, vm0, $0xb8;
	[tilespmem:$0x12180] =	vst v63  }
0x182: {  	v3 =	vadd.s32 v1, v3;
	s23 =	simm.s32 $0xF980  }
0x183: {  	[tilespmem:s23], [sflag:$0x2] =	stream.indirect_vreg.gather [hbm4b:s5+s3], $0x80, v4, vm0, $0xb8;
	[tilespmem:$0x12180] =	vst v63  }
0x184: {  	s23 =	simm.s32 $0x10180  }
0x185: {  	[tilespmem:s23], [sflag:$0x2] =	stream.indirect_vreg.gather [hbm4b:s6+s3], $0x80, v4, vm0, $0xb8;
	[tilespmem:$0x12180] =	vst v63  }
0x186: {  	s23 =	simm.s32 $0x10980  }
0x187: {  	[tilespmem:s23], [sflag:$0x2] =	stream.indirect_vreg.gather [hbm4b:s2+s3], $0x80, v3, vm0, $0xb8;
	[tilespmem:$0x12180] =	vst v63  }
0x188: {  	s23 =	simm.s32 $0x11180  }
0x189: {  	[tilespmem:s23], [sflag:$0x2] =	stream.indirect_vreg.gather [hbm4b:s5+s3], $0x80, v3, vm0, $0xb8;
	[tilespmem:$0x12180] =	vst v63  }
0x18a: {  	s23 =	simm.s32 $0x11980  }
0x18b: {  	[tilespmem:s23], [sflag:$0x2] =	stream.indirect_vreg.gather [hbm4b:s6+s3], $0x80, v3, vm0, $0xb8;
	[tilespmem:$0x12180] =	vst v63  }
0x18c: {  	_ =	swait.ge [sflag:s21], $0x9000  }
0x18d: {  	[sflag:s21] =	ssyncset.done $0x0  }
0x18e: {  	s1 =	rddreg [dreg:$0x8];
	[sflag:s21] =	ssyncadd.s32 $0xFFFF7000  }
0x18f: {  	[hbm4b:s1+s3] =	stream.linear.scatter [tilespmem:s28], [sflag:$0x3], $0x9000, $0x38;
	[tilespmem:$0x12180] =	vst v63  }
0x190: {  	_ =	swait.ge [sflag:s8], $0x9000  }
0x191: {  	[sflag:s8] =	ssyncset.done $0x0  }
0x192: {  	[sflag:s8] =	ssyncadd.s32 $0xFFFF7000  }
0x193: {  	_ =	swait.ge [sflag:s22], $0x9000  }
0x194: {  	p0 =	sne.s32 s7, $0x1;
	[sflag:s22] =	ssyncset.done $0x0  }
.Ltmp0:
0x195: {  	s1 =	rddreg [dreg:$0x9];
	[sflag:s22] =	ssyncadd.s32 $0xFFFF7000;
	(pc) =	sbr.rel @p0 .LBB2_1-.Ltmp0, $4  }
0x196: {  	[hbm4b:s1+s3] =	stream.linear.scatter [tilespmem:s0], [sflag:$0x3], $0x9000, $0x38;
	[tilespmem:$0x12180] =	vst v63  }
0x197: {  	_ =	swait.ge [sflag:s8], $0x9000  }
0x198: {  	[sflag:s8] =	ssyncset.done $0x0  }
0x199: {  	s7 =	sadd.s32 $0xFFFFFFFF, s7;
	[sflag:s8] =	ssyncadd.s32 $0xFFFF7000  }
0x19a: {  	_ =	sfence.sel $0x180000  }
0x19b: {  	[bflag:$0x0] =	sbarrier.arrive $0xFFFF  }
0x19c: {  	_ =	strace $0x90000047  }
0x19d: {  	s0 =	stileid.u32;
	[bflag:$0x2] =	sbarrier.arrive $0xFFFF  }
0x19e: {  	p0 =	sne.s32 s0, $0x0;
	s0 =	rddreg [dreg:$0x3]  }
0x19f: {  	s0 =	sadd.s32 @!p0 $0x100000, s0  }
0x1a0: {  	[sflag:s0] =	ssyncadd.tile.s32 @!p0 $0x1;
	_ =	shalt  }
.Lfunc_end2:
_tile_overlayer_lowered:
.L_overlay_start_2:
0x1a1: {  	(tag) =	ssettag $0x2  }
0x1a2: {  	s0 =	rddreg [dreg:$0x0];
	s2 =	stileid.u32  }
0x1a3: {  	s1 =	rddreg [dreg:$0x1];
	p0 =	sne.s32 s2, $0x0  }
0x1a4: {  	s3 =	rddreg [dreg:$0x2];
	[bflag:$0x3] =	sbarrier.arrive $0xFFFF;
	s2 =	simm.s32 @!p0 $0x1C03  }
0x1a5: {  	[timem:s3], [sflag:s2] =	dma.local @!p0 [hbm:s0], s1  }
0x1a6: {  	s0 =	simm.s32 @!p0 $0x3  }
0x1a7: {  	_ =	swait.ge @!p0 [sflag:s0], s1  }
0x1a8: {  	s1 =	ssub.s32 @!p0 $0x0, s1;
	[sflag:s0] =	ssyncset.done @!p0 $0x0  }
0x1a9: {  	[sflag:s0] =	ssyncadd.s32 @!p0 s1  }
0x1aa: {  	[bflag:$0x3] =	sbarrier.arrive $0xFFFF  }
0x1ab: {  	_ =	shalt  }

</sc_bundles>
